<compile_context>
chip_gen: v7x
topology: tpu7x:2x2x1
jax: 0.10.2.dev20260603
libtpu: 0.0.44.dev20260713+nightly
codegen_flags: <defaults>
</compile_context>

<pallas_src>
import functools

import jax
import jax.numpy as jnp
from jax import lax
from jax.experimental import pallas as pl
from jax.experimental.pallas import tpu as pltpu
from jax.experimental.pallas import tpu_sc as plsc

FINAL_ITER = 200000
THRESHOLD = 0.6

_ROWS = 128
_COLS = 100000
_BLOCK_ROWS = 8

_SC_ROWS = 16
_TC_ROWS = _ROWS - _SC_ROWS
_SC_BASE = _TC_ROWS * _COLS
_SC_ELEMS = _SC_ROWS * _COLS
_NUM_WORKERS = 32
_CHUNK = _SC_ELEMS // _NUM_WORKERS
_TILE = 2000
_NUM_TILES = _CHUNK // _TILE

_KS0 = 0
_KS1 = 12345
_KS2 = _KS0 ^ _KS1 ^ 0x1BD11BDA
_ROT0 = (13, 15, 26, 6)
_ROT1 = (17, 29, 16, 24)
_KS = (_KS0, _KS1, _KS2)


def _threefry_bits(n):
    x0 = jnp.uint32(_KS[0])
    x1 = n + jnp.uint32(_KS[1])
    rotations = (_ROT0, _ROT1)
    for i_round in range(5):
        for d in rotations[i_round % 2]:
            x0 = x0 + x1
            x1 = (x1 << jnp.uint32(d)) | (x1 >> jnp.uint32(32 - d))
            x1 = x0 ^ x1
        x0 = x0 + jnp.uint32(_KS[(i_round + 1) % 3])
        x1 = x1 + jnp.uint32((_KS[(i_round + 2) % 3] + i_round + 1) & 0xFFFFFFFF)
    return x0 ^ x1


def _tc_body(nbase_ref, t_ref, y_ref, thr_ref, o_ref):
    i = pl.program_id(0)
    n = nbase_ref[...] + jnp.uint32(i * _BLOCK_ROWS * _COLS)
    mask = _threefry_bits(n) < thr_ref[0]
    o_ref[...] = jnp.where(mask, y_ref[...], t_ref[...])


def _sc_body(t_hbm, y_hbm, thr_hbm, out_hbm, tbuf, ybuf, obuf, thrbuf):
    wid = lax.axis_index("s") * 2 + lax.axis_index("c")
    pltpu.sync_copy(thr_hbm, thrbuf)
    thr = thrbuf[...]
    lane = lax.iota(jnp.uint32, 16)

    def tile_step(ti, carry):
        dst = wid * _CHUNK + ti * _TILE
        src = _SC_BASE + dst
        pltpu.sync_copy(t_hbm.at[pl.ds(src, _TILE)], tbuf)
        pltpu.sync_copy(y_hbm.at[pl.ds(src, _TILE)], ybuf)

        def vec_step(v, carry2):
            off = v * 16
            n = jnp.uint32(src + off) + lane
            mask = _threefry_bits(n) < thr
            sl = pl.ds(off, 16)
            obuf[sl] = jnp.where(mask, ybuf[sl], tbuf[sl])
            return carry2

        lax.fori_loop(0, _TILE // 16, vec_step, 0, unroll=2)
        pltpu.sync_copy(obuf, out_hbm.at[pl.ds(dst, _TILE)])
        return carry

    lax.fori_loop(0, _NUM_TILES, tile_step, 0)


def kernel(target, y, now_iter):
    k = 1.0
    c = (k - THRESHOLD) / FINAL_ITER
    sampling_prob = jnp.maximum(THRESHOLD, k - c * now_iter)
    p = 1.0 - sampling_prob
    thr = (jnp.ceil(p * 8388608.0).astype(jnp.uint32) << 9).reshape(1)

    nbase = (
        lax.broadcasted_iota(jnp.uint32, (_BLOCK_ROWS, _COLS), 0)
        * jnp.uint32(_COLS)
        + lax.broadcasted_iota(jnp.uint32, (_BLOCK_ROWS, _COLS), 1)
    )
    tc_out = pl.pallas_call(
        _tc_body,
        grid=(_TC_ROWS // _BLOCK_ROWS,),
        in_specs=[
            pl.BlockSpec((_BLOCK_ROWS, _COLS), lambda i: (0, 0)),
            pl.BlockSpec((_BLOCK_ROWS, _COLS), lambda i: (i, 0)),
            pl.BlockSpec((_BLOCK_ROWS, _COLS), lambda i: (i, 0)),
            pl.BlockSpec(memory_space=pltpu.SMEM),
        ],
        out_specs=pl.BlockSpec((_BLOCK_ROWS, _COLS), lambda i: (i, 0)),
        out_shape=jax.ShapeDtypeStruct((_TC_ROWS, _COLS), jnp.float32),
        compiler_params=pltpu.CompilerParams(
            dimension_semantics=("arbitrary",)),
    )(nbase, target, y, thr)

    sc_kernel = functools.partial(
        pl.kernel,
        out_type=jax.ShapeDtypeStruct((_SC_ELEMS,), jnp.float32),
        mesh=plsc.VectorSubcoreMesh(core_axis_name="c", subcore_axis_name="s"),
        scratch_types=[
            pltpu.VMEM((_TILE,), jnp.float32),
            pltpu.VMEM((_TILE,), jnp.float32),
            pltpu.VMEM((_TILE,), jnp.float32),
            pltpu.VMEM((16,), jnp.uint32),
        ],
    )(_sc_body)
    thr16 = jnp.broadcast_to(thr, (16,))
    sc_out = sc_kernel(target.reshape(-1), y.reshape(-1), thr16)

    return jnp.concatenate([tc_out, sc_out.reshape(_SC_ROWS, _COLS)], axis=0)

# --- scband reference (transcript-rebuilt; emitter-appended) ---
"""Pipeline reference for scband-sampling-schedule-56504589746263 (READ-ONLY COPY).

The authoritative reference and input builder live on the scoring server;
editing this copy changes nothing except your own understanding.
"""

import jax, jax.numpy as jnp
import numpy as np

FINAL_ITER = 200000
THRESHOLD = 0.6

def setup_inputs(seed: int = 0) -> dict:
    key = jax.random.key(seed)
    k1, k2 = jax.random.split(key)
    target = jax.random.normal(k1, (128, 100000), dtype=jnp.float32)
    y = jax.random.normal(k2, (128, 100000), dtype=jnp.float32)
    return {"target": target, "y": y, "now_iter": 100000}

def reference(target, y, now_iter):
    # Linear_decay schedule
    k = 1.0
    c = (k - THRESHOLD) / FINAL_ITER
    sampling_prob = jnp.maximum(THRESHOLD, k - c * now_iter)
    # candidate[0] = target (teacher forcing), candidate[1] = y (model output)
    candidate = jnp.stack((target, y))  # [2, B, V]
    # np.random.choice(a=2, p=[p, 1-p]) -> 1 with prob (1-p)
    skey = jax.random.key(12345)
    sampling_list = jax.random.bernoulli(skey, p=1.0 - sampling_prob, shape=y.shape).astype(jnp.int32)
    sampling_list = sampling_list[None]  # unsqueeze(0) -> [1, B, V]
    out = jnp.take_along_axis(candidate, sampling_list, axis=0)
    return jnp.squeeze(out, axis=0)

if __name__ == "__main__":
    import jax
    _d = setup_inputs()
    print(jax.jit(kernel)(*tuple(_d.values())))

</pallas_src>

<mosaic_0001>
#map = affine_map<(d0, d1) -> (0)>
module attributes {stable_mosaic.version = 14 : i64} {
  func.func @_sc_body(%arg0: i32, %arg1: i32, %arg2: memref<12800000xf32, #tpu.memory_space<hbm>>, %arg3: memref<12800000xf32, #tpu.memory_space<hbm>>, %arg4: memref<16xi32, #tpu.memory_space<hbm>>, %arg5: memref<1600000xf32, #tpu.memory_space<hbm>>, %arg6: memref<2000xf32, #tpu.memory_space<vmem>>, %arg7: memref<2000xf32, #tpu.memory_space<vmem>>, %arg8: memref<2000xf32, #tpu.memory_space<vmem>>, %arg9: memref<16xi32, #tpu.memory_space<vmem>>) attributes {dimension_semantics = [#tpu.dimension_semantics<core_parallel>, #tpu.dimension_semantics<subcore_parallel>], iteration_bounds = array<i64: 2, 16>, scalar_prefetch = 0 : i64, scratch_operands = 4 : i64, tpu.core_type = #tpu.core_type<sc_vector_subcore>, window_params = [{transform_indices = #map}, {transform_indices = #map}, {transform_indices = #map}, {transform_indices = #map}]} {
    %mul3A = arith.constant 2 : i32
    %mul3A_0 = arith.muli %arg1, %mul3A : i32
    %add3A = arith.addi %mul3A_0, %arg0 : i32
    "tpu.region"() ({
      %run_scoped3A = tpu.sem_alloc : memref<!tpu.dma_semaphore, #tpu.memory_space<semaphore_mem>>
      tpu.enqueue_dma source(%arg4 : memref<16xi32, #tpu.memory_space<hbm>>) target(%arg9 : memref<16xi32, #tpu.memory_space<vmem>>) target_semaphore(%run_scoped3A : memref<!tpu.dma_semaphore, #tpu.memory_space<semaphore_mem>>)
      tpu.wait_dma2 semaphore(%run_scoped3A : memref<!tpu.dma_semaphore, #tpu.memory_space<semaphore_mem>>) src(%arg4 : memref<16xi32, #tpu.memory_space<hbm>>) dst(%arg9 : memref<16xi32, #tpu.memory_space<vmem>>)
      tpu.yield
    }) : () -> ()
    %get3A = arith.constant 0 : index
    %get3A_1 = tpu.vector_load %arg9[%get3A] {strides = array<i32>} : memref<16xi32, #tpu.memory_space<vmem>>, vector<16xi32>,
    %get3A_2 = vector.shape_cast %get3A_1 : vector<16xi32> to vector<16xi32>
    %iota3A = tpu.iota {dimensions = array<i32: 0>} : vector<16xi32>
    %scan3A = arith.constant 0 : i32
    %scan3A_3 = arith.constant 0 : i32
    %scan3A_4 = arith.constant 25 : i32
    %scan3A_5 = arith.addi %scan3A_3, %scan3A_4 : i32
    %scan3A_6 = arith.constant 1 : i32
    scf.for %scan3A_8 = %scan3A_3 to %scan3A_5 step %scan3A_6  : i32 {
      %mul3A_9 = arith.constant 50000 : i32
      %mul3A_10 = arith.muli %add3A, %mul3A_9 : i32
      %mul3A_11 = arith.constant 2000 : i32
      %mul3A_12 = arith.muli %scan3A_8, %mul3A_11 : i32
      %add3A_13 = arith.addi %mul3A_10, %mul3A_12 : i32
      %add3A_14 = arith.constant 11200000 : i32
      %add3A_15 = arith.addi %add3A_14, %add3A_13 : i32
      "tpu.region"() ({
        %run_scoped3A = tpu.sem_alloc : memref<!tpu.dma_semaphore, #tpu.memory_space<semaphore_mem>>
        %dma_start3A = tpu.memref_slice %arg2[%add3A_15] : memref<12800000xf32, #tpu.memory_space<hbm>> -> memref<2000xf32, #tpu.memory_space<hbm>>
        %dma_start3A_250 = tpu.memref_slice %arg2[%add3A_15] : memref<12800000xf32, #tpu.memory_space<hbm>> -> memref<2000xf32, #tpu.memory_space<hbm>>
        tpu.enqueue_dma source(%dma_start3A_250 : memref<2000xf32, #tpu.memory_space<hbm>>) target(%arg6 : memref<2000xf32, #tpu.memory_space<vmem>>) target_semaphore(%run_scoped3A : memref<!tpu.dma_semaphore, #tpu.memory_space<semaphore_mem>>)
        %dma_wait3A = tpu.memref_slice %arg2[%add3A_15] : memref<12800000xf32, #tpu.memory_space<hbm>> -> memref<2000xf32, #tpu.memory_space<hbm>>
        %dma_wait3A_251 = tpu.memref_slice %arg2[%add3A_15] : memref<12800000xf32, #tpu.memory_space<hbm>> -> memref<2000xf32, #tpu.memory_space<hbm>>
        tpu.wait_dma2 semaphore(%run_scoped3A : memref<!tpu.dma_semaphore, #tpu.memory_space<semaphore_mem>>) src(%dma_wait3A_251 : memref<2000xf32, #tpu.memory_space<hbm>>) dst(%arg6 : memref<2000xf32, #tpu.memory_space<vmem>>)
        tpu.yield
      }) : () -> ()
      "tpu.region"() ({
        %run_scoped3A = tpu.sem_alloc : memref<!tpu.dma_semaphore, #tpu.memory_space<semaphore_mem>>
        %dma_start3A = tpu.memref_slice %arg3[%add3A_15] : memref<12800000xf32, #tpu.memory_space<hbm>> -> memref<2000xf32, #tpu.memory_space<hbm>>
        %dma_start3A_250 = tpu.memref_slice %arg3[%add3A_15] : memref<12800000xf32, #tpu.memory_space<hbm>> -> memref<2000xf32, #tpu.memory_space<hbm>>
        tpu.enqueue_dma source(%dma_start3A_250 : memref<2000xf32, #tpu.memory_space<hbm>>) target(%arg7 : memref<2000xf32, #tpu.memory_space<vmem>>) target_semaphore(%run_scoped3A : memref<!tpu.dma_semaphore, #tpu.memory_space<semaphore_mem>>)
        %dma_wait3A = tpu.memref_slice %arg3[%add3A_15] : memref<12800000xf32, #tpu.memory_space<hbm>> -> memref<2000xf32, #tpu.memory_space<hbm>>
        %dma_wait3A_251 = tpu.memref_slice %arg3[%add3A_15] : memref<12800000xf32, #tpu.memory_space<hbm>> -> memref<2000xf32, #tpu.memory_space<hbm>>
        tpu.wait_dma2 semaphore(%run_scoped3A : memref<!tpu.dma_semaphore, #tpu.memory_space<semaphore_mem>>) src(%dma_wait3A_251 : memref<2000xf32, #tpu.memory_space<hbm>>) dst(%arg7 : memref<2000xf32, #tpu.memory_space<vmem>>)
        tpu.yield
      }) : () -> ()
      %scan3A_16 = arith.constant 0 : i32
      %scan3A_17 = arith.constant 0 : i32
      %scan3A_18 = arith.constant 124 : i32
      %scan3A_19 = arith.addi %scan3A_17, %scan3A_18 : i32
      %scan3A_20 = arith.constant 2 : i32
      scf.for %scan3A_250 = %scan3A_17 to %scan3A_19 step %scan3A_20  : i32 {
        %mul3A_251 = arith.constant 16 : i32
        %mul3A_252 = arith.muli %scan3A_250, %mul3A_251 : i32
        %add3A_253 = arith.addi %add3A_15, %mul3A_252 : i32
        %add3A_254 = vector.broadcast %add3A_253 : i32 to vector<16xi32>
        %add3A_255 = arith.addi %add3A_254, %iota3A : vector<16xi32>
        %add3A_256 = arith.constant 12345 : i32
        %add3A_257 = vector.broadcast %add3A_256 : i32 to vector<16xi32>
        %add3A_258 = arith.addi %add3A_255, %add3A_257 : vector<16xi32>
        %add3A_259 = arith.constant 0 : i32
        %add3A_260 = vector.broadcast %add3A_259 : i32 to vector<16xi32>
        %add3A_261 = arith.addi %add3A_260, %add3A_258 : vector<16xi32>
        %shift_left3A_262 = arith.constant 13 : i32
        %shift_left3A_263 = vector.broadcast %shift_left3A_262 : i32 to vector<16xi32>
        %shift_left3A_264 = arith.shli %add3A_258, %shift_left3A_263 : vector<16xi32>
        %shift_right_logical3A_265 = arith.constant 19 : i32
        %shift_right_logical3A_266 = vector.broadcast %shift_right_logical3A_265 : i32 to vector<16xi32>
        %shift_right_logical3A_267 = arith.shrui %add3A_258, %shift_right_logical3A_266 : vector<16xi32>
        %or3A_268 = arith.ori %shift_left3A_264, %shift_right_logical3A_267 : vector<16xi32>
        %xor3A_269 = arith.xori %add3A_261, %or3A_268 : vector<16xi32>
        %add3A_270 = arith.addi %add3A_261, %xor3A_269 : vector<16xi32>
        %shift_left3A_271 = arith.constant 15 : i32
        %shift_left3A_272 = vector.broadcast %shift_left3A_271 : i32 to vector<16xi32>
        %shift_left3A_273 = arith.shli %xor3A_269, %shift_left3A_272 : vector<16xi32>
        %shift_right_logical3A_274 = arith.constant 17 : i32
        %shift_right_logical3A_275 = vector.broadcast %shift_right_logical3A_274 : i32 to vector<16xi32>
        %shift_right_logical3A_276 = arith.shrui %xor3A_269, %shift_right_logical3A_275 : vector<16xi32>
        %or3A_277 = arith.ori %shift_left3A_273, %shift_right_logical3A_276 : vector<16xi32>
        %xor3A_278 = arith.xori %add3A_270, %or3A_277 : vector<16xi32>
        %add3A_279 = arith.addi %add3A_270, %xor3A_278 : vector<16xi32>
        %shift_left3A_280 = arith.constant 26 : i32
        %shift_left3A_281 = vector.broadcast %shift_left3A_280 : i32 to vector<16xi32>
        %shift_left3A_282 = arith.shli %xor3A_278, %shift_left3A_281 : vector<16xi32>
        %shift_right_logical3A_283 = arith.constant 6 : i32
        %shift_right_logical3A_284 = vector.broadcast %shift_right_logical3A_283 : i32 to vector<16xi32>
        %shift_right_logical3A_285 = arith.shrui %xor3A_278, %shift_right_logical3A_284 : vector<16xi32>
        %or3A_286 = arith.ori %shift_left3A_282, %shift_right_logical3A_285 : vector<16xi32>
        %xor3A_287 = arith.xori %add3A_279, %or3A_286 : vector<16xi32>
        %add3A_288 = arith.addi %add3A_279, %xor3A_287 : vector<16xi32>
        %shift_left3A_289 = arith.constant 6 : i32
        %shift_left3A_290 = vector.broadcast %shift_left3A_289 : i32 to vector<16xi32>
        %shift_left3A_291 = arith.shli %xor3A_287, %shift_left3A_290 : vector<16xi32>
        %shift_right_logical3A_292 = arith.constant 26 : i32
        %shift_right_logical3A_293 = vector.broadcast %shift_right_logical3A_292 : i32 to vector<16xi32>
        %shift_right_logical3A_294 = arith.shrui %xor3A_287, %shift_right_logical3A_293 : vector<16xi32>
        %or3A_295 = arith.ori %shift_left3A_291, %shift_right_logical3A_294 : vector<16xi32>
        %xor3A_296 = arith.xori %add3A_288, %or3A_295 : vector<16xi32>
        %add3A_297 = arith.constant 12345 : i32
        %add3A_298 = vector.broadcast %add3A_297 : i32 to vector<16xi32>
        %add3A_299 = arith.addi %add3A_288, %add3A_298 : vector<16xi32>
        %add3A_300 = arith.constant 466693092 : i32
        %add3A_301 = vector.broadcast %add3A_300 : i32 to vector<16xi32>
        %add3A_302 = arith.addi %xor3A_296, %add3A_301 : vector<16xi32>
        %add3A_303 = arith.addi %add3A_299, %add3A_302 : vector<16xi32>
        %shift_left3A_304 = arith.constant 17 : i32
        %shift_left3A_305 = vector.broadcast %shift_left3A_304 : i32 to vector<16xi32>
        %shift_left3A_306 = arith.shli %add3A_302, %shift_left3A_305 : vector<16xi32>
        %shift_right_logical3A_307 = arith.constant 15 : i32
        %shift_right_logical3A_308 = vector.broadcast %shift_right_logical3A_307 : i32 to vector<16xi32>
        %shift_right_logical3A_309 = arith.shrui %add3A_302, %shift_right_logical3A_308 : vector<16xi32>
        %or3A_310 = arith.ori %shift_left3A_306, %shift_right_logical3A_309 : vector<16xi32>
        %xor3A_311 = arith.xori %add3A_303, %or3A_310 : vector<16xi32>
        %add3A_312 = arith.addi %add3A_303, %xor3A_311 : vector<16xi32>
        %shift_left3A_313 = arith.constant 29 : i32
        %shift_left3A_314 = vector.broadcast %shift_left3A_313 : i32 to vector<16xi32>
        %shift_left3A_315 = arith.shli %xor3A_311, %shift_left3A_314 : vector<16xi32>
        %shift_right_logical3A_316 = arith.constant 3 : i32
        %shift_right_logical3A_317 = vector.broadcast %shift_right_logical3A_316 : i32 to vector<16xi32>
        %shift_right_logical3A_318 = arith.shrui %xor3A_311, %shift_right_logical3A_317 : vector<16xi32>
        %or3A_319 = arith.ori %shift_left3A_315, %shift_right_logical3A_318 : vector<16xi32>
        %xor3A_320 = arith.xori %add3A_312, %or3A_319 : vector<16xi32>
        %add3A_321 = arith.addi %add3A_312, %xor3A_320 : vector<16xi32>
        %shift_left3A_322 = arith.constant 16 : i32
        %shift_left3A_323 = vector.broadcast %shift_left3A_322 : i32 to vector<16xi32>
        %shift_left3A_324 = arith.shli %xor3A_320, %shift_left3A_323 : vector<16xi32>
        %shift_right_logical3A_325 = arith.constant 16 : i32
        %shift_right_logical3A_326 = vector.broadcast %shift_right_logical3A_325 : i32 to vector<16xi32>
        %shift_right_logical3A_327 = arith.shrui %xor3A_320, %shift_right_logical3A_326 : vector<16xi32>
        %or3A_328 = arith.ori %shift_left3A_324, %shift_right_logical3A_327 : vector<16xi32>
        %xor3A_329 = arith.xori %add3A_321, %or3A_328 : vector<16xi32>
        %add3A_330 = arith.addi %add3A_321, %xor3A_329 : vector<16xi32>
        %shift_left3A_331 = arith.constant 24 : i32
        %shift_left3A_332 = vector.broadcast %shift_left3A_331 : i32 to vector<16xi32>
        %shift_left3A_333 = arith.shli %xor3A_329, %shift_left3A_332 : vector<16xi32>
        %shift_right_logical3A_334 = arith.constant 8 : i32
        %shift_right_logical3A_335 = vector.broadcast %shift_right_logical3A_334 : i32 to vector<16xi32>
        %shift_right_logical3A_336 = arith.shrui %xor3A_329, %shift_right_logical3A_335 : vector<16xi32>
        %or3A_337 = arith.ori %shift_left3A_333, %shift_right_logical3A_336 : vector<16xi32>
        %xor3A_338 = arith.xori %add3A_330, %or3A_337 : vector<16xi32>
        %add3A_339 = arith.constant 466693091 : i32
        %add3A_340 = vector.broadcast %add3A_339 : i32 to vector<16xi32>
        %add3A_341 = arith.addi %add3A_330, %add3A_340 : vector<16xi32>
        %add3A_342 = arith.constant 2 : i32
        %add3A_343 = vector.broadcast %add3A_342 : i32 to vector<16xi32>
        %add3A_344 = arith.addi %xor3A_338, %add3A_343 : vector<16xi32>
        %add3A_345 = arith.addi %add3A_341, %add3A_344 : vector<16xi32>
        %shift_left3A_346 = arith.constant 13 : i32
        %shift_left3A_347 = vector.broadcast %shift_left3A_346 : i32 to vector<16xi32>
        %shift_left3A_348 = arith.shli %add3A_344, %shift_left3A_347 : vector<16xi32>
        %shift_right_logical3A_349 = arith.constant 19 : i32
        %shift_right_logical3A_350 = vector.broadcast %shift_right_logical3A_349 : i32 to vector<16xi32>
        %shift_right_logical3A_351 = arith.shrui %add3A_344, %shift_right_logical3A_350 : vector<16xi32>
        %or3A_352 = arith.ori %shift_left3A_348, %shift_right_logical3A_351 : vector<16xi32>
        %xor3A_353 = arith.xori %add3A_345, %or3A_352 : vector<16xi32>
        %add3A_354 = arith.addi %add3A_345, %xor3A_353 : vector<16xi32>
        %shift_left3A_355 = arith.constant 15 : i32
        %shift_left3A_356 = vector.broadcast %shift_left3A_355 : i32 to vector<16xi32>
        %shift_left3A_357 = arith.shli %xor3A_353, %shift_left3A_356 : vector<16xi32>
        %shift_right_logical3A_358 = arith.constant 17 : i32
        %shift_right_logical3A_359 = vector.broadcast %shift_right_logical3A_358 : i32 to vector<16xi32>
        %shift_right_logical3A_360 = arith.shrui %xor3A_353, %shift_right_logical3A_359 : vector<16xi32>
        %or3A_361 = arith.ori %shift_left3A_357, %shift_right_logical3A_360 : vector<16xi32>
        %xor3A_362 = arith.xori %add3A_354, %or3A_361 : vector<16xi32>
        %add3A_363 = arith.addi %add3A_354, %xor3A_362 : vector<16xi32>
        %shift_left3A_364 = arith.constant 26 : i32
        %shift_left3A_365 = vector.broadcast %shift_left3A_364 : i32 to vector<16xi32>
        %shift_left3A_366 = arith.shli %xor3A_362, %shift_left3A_365 : vector<16xi32>
        %shift_right_logical3A_367 = arith.constant 6 : i32
        %shift_right_logical3A_368 = vector.broadcast %shift_right_logical3A_367 : i32 to vector<16xi32>
        %shift_right_logical3A_369 = arith.shrui %xor3A_362, %shift_right_logical3A_368 : vector<16xi32>
        %or3A_370 = arith.ori %shift_left3A_366, %shift_right_logical3A_369 : vector<16xi32>
        %xor3A_371 = arith.xori %add3A_363, %or3A_370 : vector<16xi32>
        %add3A_372 = arith.addi %add3A_363, %xor3A_371 : vector<16xi32>
        %shift_left3A_373 = arith.constant 6 : i32
        %shift_left3A_374 = vector.broadcast %shift_left3A_373 : i32 to vector<16xi32>
        %shift_left3A_375 = arith.shli %xor3A_371, %shift_left3A_374 : vector<16xi32>
        %shift_right_logical3A_376 = arith.constant 26 : i32
        %shift_right_logical3A_377 = vector.broadcast %shift_right_logical3A_376 : i32 to vector<16xi32>
        %shift_right_logical3A_378 = arith.shrui %xor3A_371, %shift_right_logical3A_377 : vector<16xi32>
        %or3A_379 = arith.ori %shift_left3A_375, %shift_right_logical3A_378 : vector<16xi32>
        %xor3A_380 = arith.xori %add3A_372, %or3A_379 : vector<16xi32>
        %add3A_381 = arith.constant 0 : i32
        %add3A_382 = vector.broadcast %add3A_381 : i32 to vector<16xi32>
        %add3A_383 = arith.addi %add3A_372, %add3A_382 : vector<16xi32>
        %add3A_384 = arith.constant 12348 : i32
        %add3A_385 = vector.broadcast %add3A_384 : i32 to vector<16xi32>
        %add3A_386 = arith.addi %xor3A_380, %add3A_385 : vector<16xi32>
        %add3A_387 = arith.addi %add3A_383, %add3A_386 : vector<16xi32>
        %shift_left3A_388 = arith.constant 17 : i32
        %shift_left3A_389 = vector.broadcast %shift_left3A_388 : i32 to vector<16xi32>
        %shift_left3A_390 = arith.shli %add3A_386, %shift_left3A_389 : vector<16xi32>
        %shift_right_logical3A_391 = arith.constant 15 : i32
        %shift_right_logical3A_392 = vector.broadcast %shift_right_logical3A_391 : i32 to vector<16xi32>
        %shift_right_logical3A_393 = arith.shrui %add3A_386, %shift_right_logical3A_392 : vector<16xi32>
        %or3A_394 = arith.ori %shift_left3A_390, %shift_right_logical3A_393 : vector<16xi32>
        %xor3A_395 = arith.xori %add3A_387, %or3A_394 : vector<16xi32>
        %add3A_396 = arith.addi %add3A_387, %xor3A_395 : vector<16xi32>
        %shift_left3A_397 = arith.constant 29 : i32
        %shift_left3A_398 = vector.broadcast %shift_left3A_397 : i32 to vector<16xi32>
        %shift_left3A_399 = arith.shli %xor3A_395, %shift_left3A_398 : vector<16xi32>
        %shift_right_logical3A_400 = arith.constant 3 : i32
        %shift_right_logical3A_401 = vector.broadcast %shift_right_logical3A_400 : i32 to vector<16xi32>
        %shift_right_logical3A_402 = arith.shrui %xor3A_395, %shift_right_logical3A_401 : vector<16xi32>
        %or3A_403 = arith.ori %shift_left3A_399, %shift_right_logical3A_402 : vector<16xi32>
        %xor3A_404 = arith.xori %add3A_396, %or3A_403 : vector<16xi32>
        %add3A_405 = arith.addi %add3A_396, %xor3A_404 : vector<16xi32>
        %shift_left3A_406 = arith.constant 16 : i32
        %shift_left3A_407 = vector.broadcast %shift_left3A_406 : i32 to vector<16xi32>
        %shift_left3A_408 = arith.shli %xor3A_404, %shift_left3A_407 : vector<16xi32>
        %shift_right_logical3A_409 = arith.constant 16 : i32
        %shift_right_logical3A_410 = vector.broadcast %shift_right_logical3A_409 : i32 to vector<16xi32>
        %shift_right_logical3A_411 = arith.shrui %xor3A_404, %shift_right_logical3A_410 : vector<16xi32>
        %or3A_412 = arith.ori %shift_left3A_408, %shift_right_logical3A_411 : vector<16xi32>
        %xor3A_413 = arith.xori %add3A_405, %or3A_412 : vector<16xi32>
        %add3A_414 = arith.addi %add3A_405, %xor3A_413 : vector<16xi32>
        %shift_left3A_415 = arith.constant 24 : i32
        %shift_left3A_416 = vector.broadcast %shift_left3A_415 : i32 to vector<16xi32>
        %shift_left3A_417 = arith.shli %xor3A_413, %shift_left3A_416 : vector<16xi32>
        %shift_right_logical3A_418 = arith.constant 8 : i32
        %shift_right_logical3A_419 = vector.broadcast %shift_right_logical3A_418 : i32 to vector<16xi32>
        %shift_right_logical3A_420 = arith.shrui %xor3A_413, %shift_right_logical3A_419 : vector<16xi32>
        %or3A_421 = arith.ori %shift_left3A_417, %shift_right_logical3A_420 : vector<16xi32>
        %xor3A_422 = arith.xori %add3A_414, %or3A_421 : vector<16xi32>
        %add3A_423 = arith.constant 12345 : i32
        %add3A_424 = vector.broadcast %add3A_423 : i32 to vector<16xi32>
        %add3A_425 = arith.addi %add3A_414, %add3A_424 : vector<16xi32>
        %add3A_426 = arith.constant 466693095 : i32
        %add3A_427 = vector.broadcast %add3A_426 : i32 to vector<16xi32>
        %add3A_428 = arith.addi %xor3A_422, %add3A_427 : vector<16xi32>
        %add3A_429 = arith.addi %add3A_425, %add3A_428 : vector<16xi32>
        %shift_left3A_430 = arith.constant 13 : i32
        %shift_left3A_431 = vector.broadcast %shift_left3A_430 : i32 to vector<16xi32>
        %shift_left3A_432 = arith.shli %add3A_428, %shift_left3A_431 : vector<16xi32>
        %shift_right_logical3A_433 = arith.constant 19 : i32
        %shift_right_logical3A_434 = vector.broadcast %shift_right_logical3A_433 : i32 to vector<16xi32>
        %shift_right_logical3A_435 = arith.shrui %add3A_428, %shift_right_logical3A_434 : vector<16xi32>
        %or3A_436 = arith.ori %shift_left3A_432, %shift_right_logical3A_435 : vector<16xi32>
        %xor3A_437 = arith.xori %add3A_429, %or3A_436 : vector<16xi32>
        %add3A_438 = arith.addi %add3A_429, %xor3A_437 : vector<16xi32>
        %shift_left3A_439 = arith.constant 15 : i32
        %shift_left3A_440 = vector.broadcast %shift_left3A_439 : i32 to vector<16xi32>
        %shift_left3A_441 = arith.shli %xor3A_437, %shift_left3A_440 : vector<16xi32>
        %shift_right_logical3A_442 = arith.constant 17 : i32
        %shift_right_logical3A_443 = vector.broadcast %shift_right_logical3A_442 : i32 to vector<16xi32>
        %shift_right_logical3A_444 = arith.shrui %xor3A_437, %shift_right_logical3A_443 : vector<16xi32>
        %or3A_445 = arith.ori %shift_left3A_441, %shift_right_logical3A_444 : vector<16xi32>
        %xor3A_446 = arith.xori %add3A_438, %or3A_445 : vector<16xi32>
        %add3A_447 = arith.addi %add3A_438, %xor3A_446 : vector<16xi32>
        %shift_left3A_448 = arith.constant 26 : i32
        %shift_left3A_449 = vector.broadcast %shift_left3A_448 : i32 to vector<16xi32>
        %shift_left3A_450 = arith.shli %xor3A_446, %shift_left3A_449 : vector<16xi32>
        %shift_right_logical3A_451 = arith.constant 6 : i32
        %shift_right_logical3A_452 = vector.broadcast %shift_right_logical3A_451 : i32 to vector<16xi32>
        %shift_right_logical3A_453 = arith.shrui %xor3A_446, %shift_right_logical3A_452 : vector<16xi32>
        %or3A_454 = arith.ori %shift_left3A_450, %shift_right_logical3A_453 : vector<16xi32>
        %xor3A_455 = arith.xori %add3A_447, %or3A_454 : vector<16xi32>
        %add3A_456 = arith.addi %add3A_447, %xor3A_455 : vector<16xi32>
        %shift_left3A_457 = arith.constant 6 : i32
        %shift_left3A_458 = vector.broadcast %shift_left3A_457 : i32 to vector<16xi32>
        %shift_left3A_459 = arith.shli %xor3A_455, %shift_left3A_458 : vector<16xi32>
        %shift_right_logical3A_460 = arith.constant 26 : i32
        %shift_right_logical3A_461 = vector.broadcast %shift_right_logical3A_460 : i32 to vector<16xi32>
        %shift_right_logical3A_462 = arith.shrui %xor3A_455, %shift_right_logical3A_461 : vector<16xi32>
        %or3A_463 = arith.ori %shift_left3A_459, %shift_right_logical3A_462 : vector<16xi32>
        %xor3A_464 = arith.xori %add3A_456, %or3A_463 : vector<16xi32>
        %add3A_465 = arith.constant 466693091 : i32
        %add3A_466 = vector.broadcast %add3A_465 : i32 to vector<16xi32>
        %add3A_467 = arith.addi %add3A_456, %add3A_466 : vector<16xi32>
        %add3A_468 = arith.constant 5 : i32
        %add3A_469 = vector.broadcast %add3A_468 : i32 to vector<16xi32>
        %add3A_470 = arith.addi %xor3A_464, %add3A_469 : vector<16xi32>
        %xor3A_471 = arith.xori %add3A_467, %add3A_470 : vector<16xi32>
        %lt3A_472 = arith.cmpi ult, %xor3A_471, %get3A_2 : vector<16xi32>
        %get3A_473 = arith.index_cast %mul3A_252 : i32 to index
        %get3A_474 = tpu.vector_load %arg7[%get3A_473] {strides = array<i32>} : memref<2000xf32, #tpu.memory_space<vmem>>, vector<16xf32>,
        %get3A_475 = vector.shape_cast %get3A_474 : vector<16xf32> to vector<16xf32>
        %get3A_476 = arith.index_cast %mul3A_252 : i32 to index
        %get3A_477 = tpu.vector_load %arg6[%get3A_476] {strides = array<i32>} : memref<2000xf32, #tpu.memory_space<vmem>>, vector<16xf32>,
        %get3A_478 = vector.shape_cast %get3A_477 : vector<16xf32> to vector<16xf32>
        %select_n3A_479 = arith.select %lt3A_472, %get3A_475, %get3A_478 : vector<16xi1>, vector<16xf32>
        %swap3A_480 = arith.index_cast %mul3A_252 : i32 to index
        %swap3A_481 = tpu.vector_load %arg8[%swap3A_480] {strides = array<i32>} : memref<2000xf32, #tpu.memory_space<vmem>>, vector<16xf32>,
        %swap3A_482 = vector.shape_cast %swap3A_481 : vector<16xf32> to vector<16xf32>
        %swap3A_483 = vector.shape_cast %select_n3A_479 : vector<16xf32> to vector<16xf32>
        tpu.vector_store %arg8[%swap3A_480], %swap3A_483 {strides = array<i32>} : memref<2000xf32, #tpu.memory_space<vmem>>, vector<16xf32>,
        %scan3A_484 = arith.constant 1 : i32
        %scan3A_485 = arith.addi %scan3A_250, %scan3A_484 : i32
        %mul3A_486 = arith.constant 16 : i32
        %mul3A_487 = arith.muli %scan3A_485, %mul3A_486 : i32
        %add3A_488 = arith.addi %add3A_15, %mul3A_487 : i32
        %add3A_489 = vector.broadcast %add3A_488 : i32 to vector<16xi32>
        %add3A_490 = arith.addi %add3A_489, %iota3A : vector<16xi32>
        %add3A_491 = arith.constant 12345 : i32
        %add3A_492 = vector.broadcast %add3A_491 : i32 to vector<16xi32>
        %add3A_493 = arith.addi %add3A_490, %add3A_492 : vector<16xi32>
        %add3A_494 = arith.constant 0 : i32
        %add3A_495 = vector.broadcast %add3A_494 : i32 to vector<16xi32>
        %add3A_496 = arith.addi %add3A_495, %add3A_493 : vector<16xi32>
        %shift_left3A_497 = arith.constant 13 : i32
        %shift_left3A_498 = vector.broadcast %shift_left3A_497 : i32 to vector<16xi32>
        %shift_left3A_499 = arith.shli %add3A_493, %shift_left3A_498 : vector<16xi32>
        %shift_right_logical3A_500 = arith.constant 19 : i32
        %shift_right_logical3A_501 = vector.broadcast %shift_right_logical3A_500 : i32 to vector<16xi32>
        %shift_right_logical3A_502 = arith.shrui %add3A_493, %shift_right_logical3A_501 : vector<16xi32>
        %or3A_503 = arith.ori %shift_left3A_499, %shift_right_logical3A_502 : vector<16xi32>
        %xor3A_504 = arith.xori %add3A_496, %or3A_503 : vector<16xi32>
        %add3A_505 = arith.addi %add3A_496, %xor3A_504 : vector<16xi32>
        %shift_left3A_506 = arith.constant 15 : i32
        %shift_left3A_507 = vector.broadcast %shift_left3A_506 : i32 to vector<16xi32>
        %shift_left3A_508 = arith.shli %xor3A_504, %shift_left3A_507 : vector<16xi32>
        %shift_right_logical3A_509 = arith.constant 17 : i32
        %shift_right_logical3A_510 = vector.broadcast %shift_right_logical3A_509 : i32 to vector<16xi32>
        %shift_right_logical3A_511 = arith.shrui %xor3A_504, %shift_right_logical3A_510 : vector<16xi32>
        %or3A_512 = arith.ori %shift_left3A_508, %shift_right_logical3A_511 : vector<16xi32>
        %xor3A_513 = arith.xori %add3A_505, %or3A_512 : vector<16xi32>
        %add3A_514 = arith.addi %add3A_505, %xor3A_513 : vector<16xi32>
        %shift_left3A_515 = arith.constant 26 : i32
        %shift_left3A_516 = vector.broadcast %shift_left3A_515 : i32 to vector<16xi32>
        %shift_left3A_517 = arith.shli %xor3A_513, %shift_left3A_516 : vector<16xi32>
        %shift_right_logical3A_518 = arith.constant 6 : i32
        %shift_right_logical3A_519 = vector.broadcast %shift_right_logical3A_518 : i32 to vector<16xi32>
        %shift_right_logical3A_520 = arith.shrui %xor3A_513, %shift_right_logical3A_519 : vector<16xi32>
        %or3A_521 = arith.ori %shift_left3A_517, %shift_right_logical3A_520 : vector<16xi32>
        %xor3A_522 = arith.xori %add3A_514, %or3A_521 : vector<16xi32>
        %add3A_523 = arith.addi %add3A_514, %xor3A_522 : vector<16xi32>
        %shift_left3A_524 = arith.constant 6 : i32
        %shift_left3A_525 = vector.broadcast %shift_left3A_524 : i32 to vector<16xi32>
        %shift_left3A_526 = arith.shli %xor3A_522, %shift_left3A_525 : vector<16xi32>
        %shift_right_logical3A_527 = arith.constant 26 : i32
        %shift_right_logical3A_528 = vector.broadcast %shift_right_logical3A_527 : i32 to vector<16xi32>
        %shift_right_logical3A_529 = arith.shrui %xor3A_522, %shift_right_logical3A_528 : vector<16xi32>
        %or3A_530 = arith.ori %shift_left3A_526, %shift_right_logical3A_529 : vector<16xi32>
        %xor3A_531 = arith.xori %add3A_523, %or3A_530 : vector<16xi32>
        %add3A_532 = arith.constant 12345 : i32
        %add3A_533 = vector.broadcast %add3A_532 : i32 to vector<16xi32>
        %add3A_534 = arith.addi %add3A_523, %add3A_533 : vector<16xi32>
        %add3A_535 = arith.constant 466693092 : i32
        %add3A_536 = vector.broadcast %add3A_535 : i32 to vector<16xi32>
        %add3A_537 = arith.addi %xor3A_531, %add3A_536 : vector<16xi32>
        %add3A_538 = arith.addi %add3A_534, %add3A_537 : vector<16xi32>
        %shift_left3A_539 = arith.constant 17 : i32
        %shift_left3A_540 = vector.broadcast %shift_left3A_539 : i32 to vector<16xi32>
        %shift_left3A_541 = arith.shli %add3A_537, %shift_left3A_540 : vector<16xi32>
        %shift_right_logical3A_542 = arith.constant 15 : i32
        %shift_right_logical3A_543 = vector.broadcast %shift_right_logical3A_542 : i32 to vector<16xi32>
        %shift_right_logical3A_544 = arith.shrui %add3A_537, %shift_right_logical3A_543 : vector<16xi32>
        %or3A_545 = arith.ori %shift_left3A_541, %shift_right_logical3A_544 : vector<16xi32>
        %xor3A_546 = arith.xori %add3A_538, %or3A_545 : vector<16xi32>
        %add3A_547 = arith.addi %add3A_538, %xor3A_546 : vector<16xi32>
        %shift_left3A_548 = arith.constant 29 : i32
        %shift_left3A_549 = vector.broadcast %shift_left3A_548 : i32 to vector<16xi32>
        %shift_left3A_550 = arith.shli %xor3A_546, %shift_left3A_549 : vector<16xi32>
        %shift_right_logical3A_551 = arith.constant 3 : i32
        %shift_right_logical3A_552 = vector.broadcast %shift_right_logical3A_551 : i32 to vector<16xi32>
        %shift_right_logical3A_553 = arith.shrui %xor3A_546, %shift_right_logical3A_552 : vector<16xi32>
        %or3A_554 = arith.ori %shift_left3A_550, %shift_right_logical3A_553 : vector<16xi32>
        %xor3A_555 = arith.xori %add3A_547, %or3A_554 : vector<16xi32>
        %add3A_556 = arith.addi %add3A_547, %xor3A_555 : vector<16xi32>
        %shift_left3A_557 = arith.constant 16 : i32
        %shift_left3A_558 = vector.broadcast %shift_left3A_557 : i32 to vector<16xi32>
        %shift_left3A_559 = arith.shli %xor3A_555, %shift_left3A_558 : vector<16xi32>
        %shift_right_logical3A_560 = arith.constant 16 : i32
        %shift_right_logical3A_561 = vector.broadcast %shift_right_logical3A_560 : i32 to vector<16xi32>
        %shift_right_logical3A_562 = arith.shrui %xor3A_555, %shift_right_logical3A_561 : vector<16xi32>
        %or3A_563 = arith.ori %shift_left3A_559, %shift_right_logical3A_562 : vector<16xi32>
        %xor3A_564 = arith.xori %add3A_556, %or3A_563 : vector<16xi32>
        %add3A_565 = arith.addi %add3A_556, %xor3A_564 : vector<16xi32>
        %shift_left3A_566 = arith.constant 24 : i32
        %shift_left3A_567 = vector.broadcast %shift_left3A_566 : i32 to vector<16xi32>
        %shift_left3A_568 = arith.shli %xor3A_564, %shift_left3A_567 : vector<16xi32>
        %shift_right_logical3A_569 = arith.constant 8 : i32
        %shift_right_logical3A_570 = vector.broadcast %shift_right_logical3A_569 : i32 to vector<16xi32>
        %shift_right_logical3A_571 = arith.shrui %xor3A_564, %shift_right_logical3A_570 : vector<16xi32>
        %or3A_572 = arith.ori %shift_left3A_568, %shift_right_logical3A_571 : vector<16xi32>
        %xor3A_573 = arith.xori %add3A_565, %or3A_572 : vector<16xi32>
        %add3A_574 = arith.constant 466693091 : i32
        %add3A_575 = vector.broadcast %add3A_574 : i32 to vector<16xi32>
        %add3A_576 = arith.addi %add3A_565, %add3A_575 : vector<16xi32>
        %add3A_577 = arith.constant 2 : i32
        %add3A_578 = vector.broadcast %add3A_577 : i32 to vector<16xi32>
        %add3A_579 = arith.addi %xor3A_573, %add3A_578 : vector<16xi32>
        %add3A_580 = arith.addi %add3A_576, %add3A_579 : vector<16xi32>
        %shift_left3A_581 = arith.constant 13 : i32
        %shift_left3A_582 = vector.broadcast %shift_left3A_581 : i32 to vector<16xi32>
        %shift_left3A_583 = arith.shli %add3A_579, %shift_left3A_582 : vector<16xi32>
        %shift_right_logical3A_584 = arith.constant 19 : i32
        %shift_right_logical3A_585 = vector.broadcast %shift_right_logical3A_584 : i32 to vector<16xi32>
        %shift_right_logical3A_586 = arith.shrui %add3A_579, %shift_right_logical3A_585 : vector<16xi32>
        %or3A_587 = arith.ori %shift_left3A_583, %shift_right_logical3A_586 : vector<16xi32>
        %xor3A_588 = arith.xori %add3A_580, %or3A_587 : vector<16xi32>
        %add3A_589 = arith.addi %add3A_580, %xor3A_588 : vector<16xi32>
        %shift_left3A_590 = arith.constant 15 : i32
        %shift_left3A_591 = vector.broadcast %shift_left3A_590 : i32 to vector<16xi32>
        %shift_left3A_592 = arith.shli %xor3A_588, %shift_left3A_591 : vector<16xi32>
        %shift_right_logical3A_593 = arith.constant 17 : i32
        %shift_right_logical3A_594 = vector.broadcast %shift_right_logical3A_593 : i32 to vector<16xi32>
        %shift_right_logical3A_595 = arith.shrui %xor3A_588, %shift_right_logical3A_594 : vector<16xi32>
        %or3A_596 = arith.ori %shift_left3A_592, %shift_right_logical3A_595 : vector<16xi32>
        %xor3A_597 = arith.xori %add3A_589, %or3A_596 : vector<16xi32>
        %add3A_598 = arith.addi %add3A_589, %xor3A_597 : vector<16xi32>
        %shift_left3A_599 = arith.constant 26 : i32
        %shift_left3A_600 = vector.broadcast %shift_left3A_599 : i32 to vector<16xi32>
        %shift_left3A_601 = arith.shli %xor3A_597, %shift_left3A_600 : vector<16xi32>
        %shift_right_logical3A_602 = arith.constant 6 : i32
        %shift_right_logical3A_603 = vector.broadcast %shift_right_logical3A_602 : i32 to vector<16xi32>
        %shift_right_logical3A_604 = arith.shrui %xor3A_597, %shift_right_logical3A_603 : vector<16xi32>
        %or3A_605 = arith.ori %shift_left3A_601, %shift_right_logical3A_604 : vector<16xi32>
        %xor3A_606 = arith.xori %add3A_598, %or3A_605 : vector<16xi32>
        %add3A_607 = arith.addi %add3A_598, %xor3A_606 : vector<16xi32>
        %shift_left3A_608 = arith.constant 6 : i32
        %shift_left3A_609 = vector.broadcast %shift_left3A_608 : i32 to vector<16xi32>
        %shift_left3A_610 = arith.shli %xor3A_606, %shift_left3A_609 : vector<16xi32>
        %shift_right_logical3A_611 = arith.constant 26 : i32
        %shift_right_logical3A_612 = vector.broadcast %shift_right_logical3A_611 : i32 to vector<16xi32>
        %shift_right_logical3A_613 = arith.shrui %xor3A_606, %shift_right_logical3A_612 : vector<16xi32>
        %or3A_614 = arith.ori %shift_left3A_610, %shift_right_logical3A_613 : vector<16xi32>
        %xor3A_615 = arith.xori %add3A_607, %or3A_614 : vector<16xi32>
        %add3A_616 = arith.constant 0 : i32
        %add3A_617 = vector.broadcast %add3A_616 : i32 to vector<16xi32>
        %add3A_618 = arith.addi %add3A_607, %add3A_617 : vector<16xi32>
        %add3A_619 = arith.constant 12348 : i32
        %add3A_620 = vector.broadcast %add3A_619 : i32 to vector<16xi32>
        %add3A_621 = arith.addi %xor3A_615, %add3A_620 : vector<16xi32>
        %add3A_622 = arith.addi %add3A_618, %add3A_621 : vector<16xi32>
        %shift_left3A_623 = arith.constant 17 : i32
        %shift_left3A_624 = vector.broadcast %shift_left3A_623 : i32 to vector<16xi32>
        %shift_left3A_625 = arith.shli %add3A_621, %shift_left3A_624 : vector<16xi32>
        %shift_right_logical3A_626 = arith.constant 15 : i32
        %shift_right_logical3A_627 = vector.broadcast %shift_right_logical3A_626 : i32 to vector<16xi32>
        %shift_right_logical3A_628 = arith.shrui %add3A_621, %shift_right_logical3A_627 : vector<16xi32>
        %or3A_629 = arith.ori %shift_left3A_625, %shift_right_logical3A_628 : vector<16xi32>
        %xor3A_630 = arith.xori %add3A_622, %or3A_629 : vector<16xi32>
        %add3A_631 = arith.addi %add3A_622, %xor3A_630 : vector<16xi32>
        %shift_left3A_632 = arith.constant 29 : i32
        %shift_left3A_633 = vector.broadcast %shift_left3A_632 : i32 to vector<16xi32>
        %shift_left3A_634 = arith.shli %xor3A_630, %shift_left3A_633 : vector<16xi32>
        %shift_right_logical3A_635 = arith.constant 3 : i32
        %shift_right_logical3A_636 = vector.broadcast %shift_right_logical3A_635 : i32 to vector<16xi32>
        %shift_right_logical3A_637 = arith.shrui %xor3A_630, %shift_right_logical3A_636 : vector<16xi32>
        %or3A_638 = arith.ori %shift_left3A_634, %shift_right_logical3A_637 : vector<16xi32>
        %xor3A_639 = arith.xori %add3A_631, %or3A_638 : vector<16xi32>
        %add3A_640 = arith.addi %add3A_631, %xor3A_639 : vector<16xi32>
        %shift_left3A_641 = arith.constant 16 : i32
        %shift_left3A_642 = vector.broadcast %shift_left3A_641 : i32 to vector<16xi32>
        %shift_left3A_643 = arith.shli %xor3A_639, %shift_left3A_642 : vector<16xi32>
        %shift_right_logical3A_644 = arith.constant 16 : i32
        %shift_right_logical3A_645 = vector.broadcast %shift_right_logical3A_644 : i32 to vector<16xi32>
        %shift_right_logical3A_646 = arith.shrui %xor3A_639, %shift_right_logical3A_645 : vector<16xi32>
        %or3A_647 = arith.ori %shift_left3A_643, %shift_right_logical3A_646 : vector<16xi32>
        %xor3A_648 = arith.xori %add3A_640, %or3A_647 : vector<16xi32>
        %add3A_649 = arith.addi %add3A_640, %xor3A_648 : vector<16xi32>
        %shift_left3A_650 = arith.constant 24 : i32
        %shift_left3A_651 = vector.broadcast %shift_left3A_650 : i32 to vector<16xi32>
        %shift_left3A_652 = arith.shli %xor3A_648, %shift_left3A_651 : vector<16xi32>
        %shift_right_logical3A_653 = arith.constant 8 : i32
        %shift_right_logical3A_654 = vector.broadcast %shift_right_logical3A_653 : i32 to vector<16xi32>
        %shift_right_logical3A_655 = arith.shrui %xor3A_648, %shift_right_logical3A_654 : vector<16xi32>
        %or3A_656 = arith.ori %shift_left3A_652, %shift_right_logical3A_655 : vector<16xi32>
        %xor3A_657 = arith.xori %add3A_649, %or3A_656 : vector<16xi32>
        %add3A_658 = arith.constant 12345 : i32
        %add3A_659 = vector.broadcast %add3A_658 : i32 to vector<16xi32>
        %add3A_660 = arith.addi %add3A_649, %add3A_659 : vector<16xi32>
        %add3A_661 = arith.constant 466693095 : i32
        %add3A_662 = vector.broadcast %add3A_661 : i32 to vector<16xi32>
        %add3A_663 = arith.addi %xor3A_657, %add3A_662 : vector<16xi32>
        %add3A_664 = arith.addi %add3A_660, %add3A_663 : vector<16xi32>
        %shift_left3A_665 = arith.constant 13 : i32
        %shift_left3A_666 = vector.broadcast %shift_left3A_665 : i32 to vector<16xi32>
        %shift_left3A_667 = arith.shli %add3A_663, %shift_left3A_666 : vector<16xi32>
        %shift_right_logical3A_668 = arith.constant 19 : i32
        %shift_right_logical3A_669 = vector.broadcast %shift_right_logical3A_668 : i32 to vector<16xi32>
        %shift_right_logical3A_670 = arith.shrui %add3A_663, %shift_right_logical3A_669 : vector<16xi32>
        %or3A_671 = arith.ori %shift_left3A_667, %shift_right_logical3A_670 : vector<16xi32>
        %xor3A_672 = arith.xori %add3A_664, %or3A_671 : vector<16xi32>
        %add3A_673 = arith.addi %add3A_664, %xor3A_672 : vector<16xi32>
        %shift_left3A_674 = arith.constant 15 : i32
        %shift_left3A_675 = vector.broadcast %shift_left3A_674 : i32 to vector<16xi32>
        %shift_left3A_676 = arith.shli %xor3A_672, %shift_left3A_675 : vector<16xi32>
        %shift_right_logical3A_677 = arith.constant 17 : i32
        %shift_right_logical3A_678 = vector.broadcast %shift_right_logical3A_677 : i32 to vector<16xi32>
        %shift_right_logical3A_679 = arith.shrui %xor3A_672, %shift_right_logical3A_678 : vector<16xi32>
        %or3A_680 = arith.ori %shift_left3A_676, %shift_right_logical3A_679 : vector<16xi32>
        %xor3A_681 = arith.xori %add3A_673, %or3A_680 : vector<16xi32>
        %add3A_682 = arith.addi %add3A_673, %xor3A_681 : vector<16xi32>
        %shift_left3A_683 = arith.constant 26 : i32
        %shift_left3A_684 = vector.broadcast %shift_left3A_683 : i32 to vector<16xi32>
        %shift_left3A_685 = arith.shli %xor3A_681, %shift_left3A_684 : vector<16xi32>
        %shift_right_logical3A_686 = arith.constant 6 : i32
        %shift_right_logical3A_687 = vector.broadcast %shift_right_logical3A_686 : i32 to vector<16xi32>
        %shift_right_logical3A_688 = arith.shrui %xor3A_681, %shift_right_logical3A_687 : vector<16xi32>
        %or3A_689 = arith.ori %shift_left3A_685, %shift_right_logical3A_688 : vector<16xi32>
        %xor3A_690 = arith.xori %add3A_682, %or3A_689 : vector<16xi32>
        %add3A_691 = arith.addi %add3A_682, %xor3A_690 : vector<16xi32>
        %shift_left3A_692 = arith.constant 6 : i32
        %shift_left3A_693 = vector.broadcast %shift_left3A_692 : i32 to vector<16xi32>
        %shift_left3A_694 = arith.shli %xor3A_690, %shift_left3A_693 : vector<16xi32>
        %shift_right_logical3A_695 = arith.constant 26 : i32
        %shift_right_logical3A_696 = vector.broadcast %shift_right_logical3A_695 : i32 to vector<16xi32>
        %shift_right_logical3A_697 = arith.shrui %xor3A_690, %shift_right_logical3A_696 : vector<16xi32>
        %or3A_698 = arith.ori %shift_left3A_694, %shift_right_logical3A_697 : vector<16xi32>
        %xor3A_699 = arith.xori %add3A_691, %or3A_698 : vector<16xi32>
        %add3A_700 = arith.constant 466693091 : i32
        %add3A_701 = vector.broadcast %add3A_700 : i32 to vector<16xi32>
        %add3A_702 = arith.addi %add3A_691, %add3A_701 : vector<16xi32>
        %add3A_703 = arith.constant 5 : i32
        %add3A_704 = vector.broadcast %add3A_703 : i32 to vector<16xi32>
        %add3A_705 = arith.addi %xor3A_699, %add3A_704 : vector<16xi32>
        %xor3A_706 = arith.xori %add3A_702, %add3A_705 : vector<16xi32>
        %lt3A_707 = arith.cmpi ult, %xor3A_706, %get3A_2 : vector<16xi32>
        %get3A_708 = arith.index_cast %mul3A_487 : i32 to index
        %get3A_709 = tpu.vector_load %arg7[%get3A_708] {strides = array<i32>} : memref<2000xf32, #tpu.memory_space<vmem>>, vector<16xf32>,
        %get3A_710 = vector.shape_cast %get3A_709 : vector<16xf32> to vector<16xf32>
        %get3A_711 = arith.index_cast %mul3A_487 : i32 to index
        %get3A_712 = tpu.vector_load %arg6[%get3A_711] {strides = array<i32>} : memref<2000xf32, #tpu.memory_space<vmem>>, vector<16xf32>,
        %get3A_713 = vector.shape_cast %get3A_712 : vector<16xf32> to vector<16xf32>
        %select_n3A_714 = arith.select %lt3A_707, %get3A_710, %get3A_713 : vector<16xi1>, vector<16xf32>
        %swap3A_715 = arith.index_cast %mul3A_487 : i32 to index
        %swap3A_716 = tpu.vector_load %arg8[%swap3A_715] {strides = array<i32>} : memref<2000xf32, #tpu.memory_space<vmem>>, vector<16xf32>,
        %swap3A_717 = vector.shape_cast %swap3A_716 : vector<16xf32> to vector<16xf32>
        %swap3A_718 = vector.shape_cast %select_n3A_714 : vector<16xf32> to vector<16xf32>
        tpu.vector_store %arg8[%swap3A_715], %swap3A_718 {strides = array<i32>} : memref<2000xf32, #tpu.memory_space<vmem>>, vector<16xf32>,
      }
      %scan3A_21 = arith.constant 124 : i32
      %scan3A_22 = arith.addi %scan3A_17, %scan3A_21 : i32
      %mul3A_23 = arith.constant 16 : i32
      %mul3A_24 = arith.muli %scan3A_22, %mul3A_23 : i32
      %add3A_25 = arith.addi %add3A_15, %mul3A_24 : i32
      %add3A_26 = vector.broadcast %add3A_25 : i32 to vector<16xi32>
      %add3A_27 = arith.addi %add3A_26, %iota3A : vector<16xi32>
      %add3A_28 = arith.constant 12345 : i32
      %add3A_29 = vector.broadcast %add3A_28 : i32 to vector<16xi32>
      %add3A_30 = arith.addi %add3A_27, %add3A_29 : vector<16xi32>
      %add3A_31 = arith.constant 0 : i32
      %add3A_32 = vector.broadcast %add3A_31 : i32 to vector<16xi32>
      %add3A_33 = arith.addi %add3A_32, %add3A_30 : vector<16xi32>
      %shift_left3A = arith.constant 13 : i32
      %shift_left3A_34 = vector.broadcast %shift_left3A : i32 to vector<16xi32>
      %shift_left3A_35 = arith.shli %add3A_30, %shift_left3A_34 : vector<16xi32>
      %shift_right_logical3A = arith.constant 19 : i32
      %shift_right_logical3A_36 = vector.broadcast %shift_right_logical3A : i32 to vector<16xi32>
      %shift_right_logical3A_37 = arith.shrui %add3A_30, %shift_right_logical3A_36 : vector<16xi32>
      %or3A = arith.ori %shift_left3A_35, %shift_right_logical3A_37 : vector<16xi32>
      %xor3A = arith.xori %add3A_33, %or3A : vector<16xi32>
      %add3A_38 = arith.addi %add3A_33, %xor3A : vector<16xi32>
      %shift_left3A_39 = arith.constant 15 : i32
      %shift_left3A_40 = vector.broadcast %shift_left3A_39 : i32 to vector<16xi32>
      %shift_left3A_41 = arith.shli %xor3A, %shift_left3A_40 : vector<16xi32>
      %shift_right_logical3A_42 = arith.constant 17 : i32
      %shift_right_logical3A_43 = vector.broadcast %shift_right_logical3A_42 : i32 to vector<16xi32>
      %shift_right_logical3A_44 = arith.shrui %xor3A, %shift_right_logical3A_43 : vector<16xi32>
      %or3A_45 = arith.ori %shift_left3A_41, %shift_right_logical3A_44 : vector<16xi32>
      %xor3A_46 = arith.xori %add3A_38, %or3A_45 : vector<16xi32>
      %add3A_47 = arith.addi %add3A_38, %xor3A_46 : vector<16xi32>
      %shift_left3A_48 = arith.constant 26 : i32
      %shift_left3A_49 = vector.broadcast %shift_left3A_48 : i32 to vector<16xi32>
      %shift_left3A_50 = arith.shli %xor3A_46, %shift_left3A_49 : vector<16xi32>
      %shift_right_logical3A_51 = arith.constant 6 : i32
      %shift_right_logical3A_52 = vector.broadcast %shift_right_logical3A_51 : i32 to vector<16xi32>
      %shift_right_logical3A_53 = arith.shrui %xor3A_46, %shift_right_logical3A_52 : vector<16xi32>
      %or3A_54 = arith.ori %shift_left3A_50, %shift_right_logical3A_53 : vector<16xi32>
      %xor3A_55 = arith.xori %add3A_47, %or3A_54 : vector<16xi32>
      %add3A_56 = arith.addi %add3A_47, %xor3A_55 : vector<16xi32>
      %shift_left3A_57 = arith.constant 6 : i32
      %shift_left3A_58 = vector.broadcast %shift_left3A_57 : i32 to vector<16xi32>
      %shift_left3A_59 = arith.shli %xor3A_55, %shift_left3A_58 : vector<16xi32>
      %shift_right_logical3A_60 = arith.constant 26 : i32
      %shift_right_logical3A_61 = vector.broadcast %shift_right_logical3A_60 : i32 to vector<16xi32>
      %shift_right_logical3A_62 = arith.shrui %xor3A_55, %shift_right_logical3A_61 : vector<16xi32>
      %or3A_63 = arith.ori %shift_left3A_59, %shift_right_logical3A_62 : vector<16xi32>
      %xor3A_64 = arith.xori %add3A_56, %or3A_63 : vector<16xi32>
      %add3A_65 = arith.constant 12345 : i32
      %add3A_66 = vector.broadcast %add3A_65 : i32 to vector<16xi32>
      %add3A_67 = arith.addi %add3A_56, %add3A_66 : vector<16xi32>
      %add3A_68 = arith.constant 466693092 : i32
      %add3A_69 = vector.broadcast %add3A_68 : i32 to vector<16xi32>
      %add3A_70 = arith.addi %xor3A_64, %add3A_69 : vector<16xi32>
      %add3A_71 = arith.addi %add3A_67, %add3A_70 : vector<16xi32>
      %shift_left3A_72 = arith.constant 17 : i32
      %shift_left3A_73 = vector.broadcast %shift_left3A_72 : i32 to vector<16xi32>
      %shift_left3A_74 = arith.shli %add3A_70, %shift_left3A_73 : vector<16xi32>
      %shift_right_logical3A_75 = arith.constant 15 : i32
      %shift_right_logical3A_76 = vector.broadcast %shift_right_logical3A_75 : i32 to vector<16xi32>
      %shift_right_logical3A_77 = arith.shrui %add3A_70, %shift_right_logical3A_76 : vector<16xi32>
      %or3A_78 = arith.ori %shift_left3A_74, %shift_right_logical3A_77 : vector<16xi32>
      %xor3A_79 = arith.xori %add3A_71, %or3A_78 : vector<16xi32>
      %add3A_80 = arith.addi %add3A_71, %xor3A_79 : vector<16xi32>
      %shift_left3A_81 = arith.constant 29 : i32
      %shift_left3A_82 = vector.broadcast %shift_left3A_81 : i32 to vector<16xi32>
      %shift_left3A_83 = arith.shli %xor3A_79, %shift_left3A_82 : vector<16xi32>
      %shift_right_logical3A_84 = arith.constant 3 : i32
      %shift_right_logical3A_85 = vector.broadcast %shift_right_logical3A_84 : i32 to vector<16xi32>
      %shift_right_logical3A_86 = arith.shrui %xor3A_79, %shift_right_logical3A_85 : vector<16xi32>
      %or3A_87 = arith.ori %shift_left3A_83, %shift_right_logical3A_86 : vector<16xi32>
      %xor3A_88 = arith.xori %add3A_80, %or3A_87 : vector<16xi32>
      %add3A_89 = arith.addi %add3A_80, %xor3A_88 : vector<16xi32>
      %shift_left3A_90 = arith.constant 16 : i32
      %shift_left3A_91 = vector.broadcast %shift_left3A_90 : i32 to vector<16xi32>
      %shift_left3A_92 = arith.shli %xor3A_88, %shift_left3A_91 : vector<16xi32>
      %shift_right_logical3A_93 = arith.constant 16 : i32
      %shift_right_logical3A_94 = vector.broadcast %shift_right_logical3A_93 : i32 to vector<16xi32>
      %shift_right_logical3A_95 = arith.shrui %xor3A_88, %shift_right_logical3A_94 : vector<16xi32>
      %or3A_96 = arith.ori %shift_left3A_92, %shift_right_logical3A_95 : vector<16xi32>
      %xor3A_97 = arith.xori %add3A_89, %or3A_96 : vector<16xi32>
      %add3A_98 = arith.addi %add3A_89, %xor3A_97 : vector<16xi32>
      %shift_left3A_99 = arith.constant 24 : i32
      %shift_left3A_100 = vector.broadcast %shift_left3A_99 : i32 to vector<16xi32>
      %shift_left3A_101 = arith.shli %xor3A_97, %shift_left3A_100 : vector<16xi32>
      %shift_right_logical3A_102 = arith.constant 8 : i32
      %shift_right_logical3A_103 = vector.broadcast %shift_right_logical3A_102 : i32 to vector<16xi32>
      %shift_right_logical3A_104 = arith.shrui %xor3A_97, %shift_right_logical3A_103 : vector<16xi32>
      %or3A_105 = arith.ori %shift_left3A_101, %shift_right_logical3A_104 : vector<16xi32>
      %xor3A_106 = arith.xori %add3A_98, %or3A_105 : vector<16xi32>
      %add3A_107 = arith.constant 466693091 : i32
      %add3A_108 = vector.broadcast %add3A_107 : i32 to vector<16xi32>
      %add3A_109 = arith.addi %add3A_98, %add3A_108 : vector<16xi32>
      %add3A_110 = arith.constant 2 : i32
      %add3A_111 = vector.broadcast %add3A_110 : i32 to vector<16xi32>
      %add3A_112 = arith.addi %xor3A_106, %add3A_111 : vector<16xi32>
      %add3A_113 = arith.addi %add3A_109, %add3A_112 : vector<16xi32>
      %shift_left3A_114 = arith.constant 13 : i32
      %shift_left3A_115 = vector.broadcast %shift_left3A_114 : i32 to vector<16xi32>
      %shift_left3A_116 = arith.shli %add3A_112, %shift_left3A_115 : vector<16xi32>
      %shift_right_logical3A_117 = arith.constant 19 : i32
      %shift_right_logical3A_118 = vector.broadcast %shift_right_logical3A_117 : i32 to vector<16xi32>
      %shift_right_logical3A_119 = arith.shrui %add3A_112, %shift_right_logical3A_118 : vector<16xi32>
      %or3A_120 = arith.ori %shift_left3A_116, %shift_right_logical3A_119 : vector<16xi32>
      %xor3A_121 = arith.xori %add3A_113, %or3A_120 : vector<16xi32>
      %add3A_122 = arith.addi %add3A_113, %xor3A_121 : vector<16xi32>
      %shift_left3A_123 = arith.constant 15 : i32
      %shift_left3A_124 = vector.broadcast %shift_left3A_123 : i32 to vector<16xi32>
      %shift_left3A_125 = arith.shli %xor3A_121, %shift_left3A_124 : vector<16xi32>
      %shift_right_logical3A_126 = arith.constant 17 : i32
      %shift_right_logical3A_127 = vector.broadcast %shift_right_logical3A_126 : i32 to vector<16xi32>
      %shift_right_logical3A_128 = arith.shrui %xor3A_121, %shift_right_logical3A_127 : vector<16xi32>
      %or3A_129 = arith.ori %shift_left3A_125, %shift_right_logical3A_128 : vector<16xi32>
      %xor3A_130 = arith.xori %add3A_122, %or3A_129 : vector<16xi32>
      %add3A_131 = arith.addi %add3A_122, %xor3A_130 : vector<16xi32>
      %shift_left3A_132 = arith.constant 26 : i32
      %shift_left3A_133 = vector.broadcast %shift_left3A_132 : i32 to vector<16xi32>
      %shift_left3A_134 = arith.shli %xor3A_130, %shift_left3A_133 : vector<16xi32>
      %shift_right_logical3A_135 = arith.constant 6 : i32
      %shift_right_logical3A_136 = vector.broadcast %shift_right_logical3A_135 : i32 to vector<16xi32>
      %shift_right_logical3A_137 = arith.shrui %xor3A_130, %shift_right_logical3A_136 : vector<16xi32>
      %or3A_138 = arith.ori %shift_left3A_134, %shift_right_logical3A_137 : vector<16xi32>
      %xor3A_139 = arith.xori %add3A_131, %or3A_138 : vector<16xi32>
      %add3A_140 = arith.addi %add3A_131, %xor3A_139 : vector<16xi32>
      %shift_left3A_141 = arith.constant 6 : i32
      %shift_left3A_142 = vector.broadcast %shift_left3A_141 : i32 to vector<16xi32>
      %shift_left3A_143 = arith.shli %xor3A_139, %shift_left3A_142 : vector<16xi32>
      %shift_right_logical3A_144 = arith.constant 26 : i32
      %shift_right_logical3A_145 = vector.broadcast %shift_right_logical3A_144 : i32 to vector<16xi32>
      %shift_right_logical3A_146 = arith.shrui %xor3A_139, %shift_right_logical3A_145 : vector<16xi32>
      %or3A_147 = arith.ori %shift_left3A_143, %shift_right_logical3A_146 : vector<16xi32>
      %xor3A_148 = arith.xori %add3A_140, %or3A_147 : vector<16xi32>
      %add3A_149 = arith.constant 0 : i32
      %add3A_150 = vector.broadcast %add3A_149 : i32 to vector<16xi32>
      %add3A_151 = arith.addi %add3A_140, %add3A_150 : vector<16xi32>
      %add3A_152 = arith.constant 12348 : i32
      %add3A_153 = vector.broadcast %add3A_152 : i32 to vector<16xi32>
      %add3A_154 = arith.addi %xor3A_148, %add3A_153 : vector<16xi32>
      %add3A_155 = arith.addi %add3A_151, %add3A_154 : vector<16xi32>
      %shift_left3A_156 = arith.constant 17 : i32
      %shift_left3A_157 = vector.broadcast %shift_left3A_156 : i32 to vector<16xi32>
      %shift_left3A_158 = arith.shli %add3A_154, %shift_left3A_157 : vector<16xi32>
      %shift_right_logical3A_159 = arith.constant 15 : i32
      %shift_right_logical3A_160 = vector.broadcast %shift_right_logical3A_159 : i32 to vector<16xi32>
      %shift_right_logical3A_161 = arith.shrui %add3A_154, %shift_right_logical3A_160 : vector<16xi32>
      %or3A_162 = arith.ori %shift_left3A_158, %shift_right_logical3A_161 : vector<16xi32>
      %xor3A_163 = arith.xori %add3A_155, %or3A_162 : vector<16xi32>
      %add3A_164 = arith.addi %add3A_155, %xor3A_163 : vector<16xi32>
      %shift_left3A_165 = arith.constant 29 : i32
      %shift_left3A_166 = vector.broadcast %shift_left3A_165 : i32 to vector<16xi32>
      %shift_left3A_167 = arith.shli %xor3A_163, %shift_left3A_166 : vector<16xi32>
      %shift_right_logical3A_168 = arith.constant 3 : i32
      %shift_right_logical3A_169 = vector.broadcast %shift_right_logical3A_168 : i32 to vector<16xi32>
      %shift_right_logical3A_170 = arith.shrui %xor3A_163, %shift_right_logical3A_169 : vector<16xi32>
      %or3A_171 = arith.ori %shift_left3A_167, %shift_right_logical3A_170 : vector<16xi32>
      %xor3A_172 = arith.xori %add3A_164, %or3A_171 : vector<16xi32>
      %add3A_173 = arith.addi %add3A_164, %xor3A_172 : vector<16xi32>
      %shift_left3A_174 = arith.constant 16 : i32
      %shift_left3A_175 = vector.broadcast %shift_left3A_174 : i32 to vector<16xi32>
      %shift_left3A_176 = arith.shli %xor3A_172, %shift_left3A_175 : vector<16xi32>
      %shift_right_logical3A_177 = arith.constant 16 : i32
      %shift_right_logical3A_178 = vector.broadcast %shift_right_logical3A_177 : i32 to vector<16xi32>
      %shift_right_logical3A_179 = arith.shrui %xor3A_172, %shift_right_logical3A_178 : vector<16xi32>
      %or3A_180 = arith.ori %shift_left3A_176, %shift_right_logical3A_179 : vector<16xi32>
      %xor3A_181 = arith.xori %add3A_173, %or3A_180 : vector<16xi32>
      %add3A_182 = arith.addi %add3A_173, %xor3A_181 : vector<16xi32>
      %shift_left3A_183 = arith.constant 24 : i32
      %shift_left3A_184 = vector.broadcast %shift_left3A_183 : i32 to vector<16xi32>
      %shift_left3A_185 = arith.shli %xor3A_181, %shift_left3A_184 : vector<16xi32>
      %shift_right_logical3A_186 = arith.constant 8 : i32
      %shift_right_logical3A_187 = vector.broadcast %shift_right_logical3A_186 : i32 to vector<16xi32>
      %shift_right_logical3A_188 = arith.shrui %xor3A_181, %shift_right_logical3A_187 : vector<16xi32>
      %or3A_189 = arith.ori %shift_left3A_185, %shift_right_logical3A_188 : vector<16xi32>
      %xor3A_190 = arith.xori %add3A_182, %or3A_189 : vector<16xi32>
      %add3A_191 = arith.constant 12345 : i32
      %add3A_192 = vector.broadcast %add3A_191 : i32 to vector<16xi32>
      %add3A_193 = arith.addi %add3A_182, %add3A_192 : vector<16xi32>
      %add3A_194 = arith.constant 466693095 : i32
      %add3A_195 = vector.broadcast %add3A_194 : i32 to vector<16xi32>
      %add3A_196 = arith.addi %xor3A_190, %add3A_195 : vector<16xi32>
      %add3A_197 = arith.addi %add3A_193, %add3A_196 : vector<16xi32>
      %shift_left3A_198 = arith.constant 13 : i32
      %shift_left3A_199 = vector.broadcast %shift_left3A_198 : i32 to vector<16xi32>
      %shift_left3A_200 = arith.shli %add3A_196, %shift_left3A_199 : vector<16xi32>
      %shift_right_logical3A_201 = arith.constant 19 : i32
      %shift_right_logical3A_202 = vector.broadcast %shift_right_logical3A_201 : i32 to vector<16xi32>
      %shift_right_logical3A_203 = arith.shrui %add3A_196, %shift_right_logical3A_202 : vector<16xi32>
      %or3A_204 = arith.ori %shift_left3A_200, %shift_right_logical3A_203 : vector<16xi32>
      %xor3A_205 = arith.xori %add3A_197, %or3A_204 : vector<16xi32>
      %add3A_206 = arith.addi %add3A_197, %xor3A_205 : vector<16xi32>
      %shift_left3A_207 = arith.constant 15 : i32
      %shift_left3A_208 = vector.broadcast %shift_left3A_207 : i32 to vector<16xi32>
      %shift_left3A_209 = arith.shli %xor3A_205, %shift_left3A_208 : vector<16xi32>
      %shift_right_logical3A_210 = arith.constant 17 : i32
      %shift_right_logical3A_211 = vector.broadcast %shift_right_logical3A_210 : i32 to vector<16xi32>
      %shift_right_logical3A_212 = arith.shrui %xor3A_205, %shift_right_logical3A_211 : vector<16xi32>
      %or3A_213 = arith.ori %shift_left3A_209, %shift_right_logical3A_212 : vector<16xi32>
      %xor3A_214 = arith.xori %add3A_206, %or3A_213 : vector<16xi32>
      %add3A_215 = arith.addi %add3A_206, %xor3A_214 : vector<16xi32>
      %shift_left3A_216 = arith.constant 26 : i32
      %shift_left3A_217 = vector.broadcast %shift_left3A_216 : i32 to vector<16xi32>
      %shift_left3A_218 = arith.shli %xor3A_214, %shift_left3A_217 : vector<16xi32>
      %shift_right_logical3A_219 = arith.constant 6 : i32
      %shift_right_logical3A_220 = vector.broadcast %shift_right_logical3A_219 : i32 to vector<16xi32>
      %shift_right_logical3A_221 = arith.shrui %xor3A_214, %shift_right_logical3A_220 : vector<16xi32>
      %or3A_222 = arith.ori %shift_left3A_218, %shift_right_logical3A_221 : vector<16xi32>
      %xor3A_223 = arith.xori %add3A_215, %or3A_222 : vector<16xi32>
      %add3A_224 = arith.addi %add3A_215, %xor3A_223 : vector<16xi32>
      %shift_left3A_225 = arith.constant 6 : i32
      %shift_left3A_226 = vector.broadcast %shift_left3A_225 : i32 to vector<16xi32>
      %shift_left3A_227 = arith.shli %xor3A_223, %shift_left3A_226 : vector<16xi32>
      %shift_right_logical3A_228 = arith.constant 26 : i32
      %shift_right_logical3A_229 = vector.broadcast %shift_right_logical3A_228 : i32 to vector<16xi32>
      %shift_right_logical3A_230 = arith.shrui %xor3A_223, %shift_right_logical3A_229 : vector<16xi32>
      %or3A_231 = arith.ori %shift_left3A_227, %shift_right_logical3A_230 : vector<16xi32>
      %xor3A_232 = arith.xori %add3A_224, %or3A_231 : vector<16xi32>
      %add3A_233 = arith.constant 466693091 : i32
      %add3A_234 = vector.broadcast %add3A_233 : i32 to vector<16xi32>
      %add3A_235 = arith.addi %add3A_224, %add3A_234 : vector<16xi32>
      %add3A_236 = arith.constant 5 : i32
      %add3A_237 = vector.broadcast %add3A_236 : i32 to vector<16xi32>
      %add3A_238 = arith.addi %xor3A_232, %add3A_237 : vector<16xi32>
      %xor3A_239 = arith.xori %add3A_235, %add3A_238 : vector<16xi32>
      %lt3A = arith.cmpi ult, %xor3A_239, %get3A_2 : vector<16xi32>
      %get3A_240 = arith.index_cast %mul3A_24 : i32 to index
      %get3A_241 = tpu.vector_load %arg7[%get3A_240] {strides = array<i32>} : memref<2000xf32, #tpu.memory_space<vmem>>, vector<16xf32>,
      %get3A_242 = vector.shape_cast %get3A_241 : vector<16xf32> to vector<16xf32>
      %get3A_243 = arith.index_cast %mul3A_24 : i32 to index
      %get3A_244 = tpu.vector_load %arg6[%get3A_243] {strides = array<i32>} : memref<2000xf32, #tpu.memory_space<vmem>>, vector<16xf32>,
      %get3A_245 = vector.shape_cast %get3A_244 : vector<16xf32> to vector<16xf32>
      %select_n3A = arith.select %lt3A, %get3A_242, %get3A_245 : vector<16xi1>, vector<16xf32>
      %swap3A = arith.index_cast %mul3A_24 : i32 to index
      %swap3A_246 = tpu.vector_load %arg8[%swap3A] {strides = array<i32>} : memref<2000xf32, #tpu.memory_space<vmem>>, vector<16xf32>,
      %swap3A_247 = vector.shape_cast %swap3A_246 : vector<16xf32> to vector<16xf32>
      %swap3A_248 = vector.shape_cast %select_n3A : vector<16xf32> to vector<16xf32>
      tpu.vector_store %arg8[%swap3A], %swap3A_248 {strides = array<i32>} : memref<2000xf32, #tpu.memory_space<vmem>>, vector<16xf32>,
      %scan3A_249 = arith.constant 125 : i32
      "tpu.region"() ({
        %run_scoped3A = tpu.sem_alloc : memref<!tpu.dma_semaphore, #tpu.memory_space<semaphore_mem>>
        %dma_start3A = tpu.memref_slice %arg5[%add3A_13] : memref<1600000xf32, #tpu.memory_space<hbm>> -> memref<2000xf32, #tpu.memory_space<hbm>>
        %dma_start3A_250 = tpu.memref_slice %arg5[%add3A_13] : memref<1600000xf32, #tpu.memory_space<hbm>> -> memref<2000xf32, #tpu.memory_space<hbm>>
        tpu.enqueue_dma source(%arg8 : memref<2000xf32, #tpu.memory_space<vmem>>) target(%dma_start3A_250 : memref<2000xf32, #tpu.memory_space<hbm>>) target_semaphore(%run_scoped3A : memref<!tpu.dma_semaphore, #tpu.memory_space<semaphore_mem>>)
        %dma_wait3A = tpu.memref_slice %arg5[%add3A_13] : memref<1600000xf32, #tpu.memory_space<hbm>> -> memref<2000xf32, #tpu.memory_space<hbm>>
        %dma_wait3A_251 = tpu.memref_slice %arg5[%add3A_13] : memref<1600000xf32, #tpu.memory_space<hbm>> -> memref<2000xf32, #tpu.memory_space<hbm>>
        tpu.wait_dma2 semaphore(%run_scoped3A : memref<!tpu.dma_semaphore, #tpu.memory_space<semaphore_mem>>) src(%arg8 : memref<2000xf32, #tpu.memory_space<vmem>>) dst(%dma_wait3A_251 : memref<2000xf32, #tpu.memory_space<hbm>>)
        tpu.yield
      }) : () -> ()
    }
    %scan3A_7 = arith.constant 25 : i32
    return
  }
}

module attributes {stable_mosaic.version = 14 : i64} {
  func.func @_tc_body(%arg0: i32, %arg1: memref<8x100000xi32, #tpu.memory_space<vmem>>, %arg2: memref<8x100000xf32, #tpu.memory_space<vmem>>, %arg3: memref<8x100000xf32, #tpu.memory_space<vmem>>, %arg4: memref<1xi32, #tpu.memory_space<smem>>, %arg5: memref<8x100000xf32, #tpu.memory_space<vmem>>) attributes {dimension_semantics = [#tpu.dimension_semantics<arbitrary>], iteration_bounds = array<i64: 14>, scalar_prefetch = 0 : i64, scratch_operands = 0 : i64, tpu.core_type = #tpu.core_type<tc>, window_params = [{pipeline_mode = #tpu.pipeline_mode<synchronous>, transform_indices = @transform_0, window_bounds = array<i64: 8, 100000>}, {transform_indices = @transform_1, window_bounds = array<i64: 8, 100000>}, {transform_indices = @transform_2, window_bounds = array<i64: 8, 100000>}, {transform_indices = @transform_3, window_bounds = array<i64: 1>}, {transform_indices = @transform_4, window_bounds = array<i64: 8, 100000>}]} {
    %get3A = arith.constant 0 : index
    %get3A_0 = arith.constant 0 : index
    %get3A_1 = vector.load %arg1[%get3A, %get3A_0] : memref<8x100000xi32, #tpu.memory_space<vmem>>, vector<8x100000xi32>
    %mul3A = arith.constant 8 : i32
    %mul3A_2 = arith.muli %arg0, %mul3A : i32
    %mul3A_3 = arith.constant 100000 : i32
    %mul3A_4 = arith.muli %mul3A_2, %mul3A_3 : i32
    %add3A = vector.broadcast %mul3A_4 : i32 to vector<8x100000xi32>
    %add3A_5 = arith.addi %get3A_1, %add3A : vector<8x100000xi32>
    %add3A_6 = arith.constant 12345 : i32
    %add3A_7 = vector.broadcast %add3A_6 : i32 to vector<8x100000xi32>
    %add3A_8 = arith.addi %add3A_5, %add3A_7 : vector<8x100000xi32>
    %add3A_9 = arith.constant 0 : i32
    %add3A_10 = vector.broadcast %add3A_9 : i32 to vector<8x100000xi32>
    %add3A_11 = arith.addi %add3A_10, %add3A_8 : vector<8x100000xi32>
    %shift_left3A = arith.constant 13 : i32
    %shift_left3A_12 = vector.broadcast %shift_left3A : i32 to vector<8x100000xi32>
    %shift_left3A_13 = arith.shli %add3A_8, %shift_left3A_12 : vector<8x100000xi32>
    %shift_right_logical3A = arith.constant 19 : i32
    %shift_right_logical3A_14 = vector.broadcast %shift_right_logical3A : i32 to vector<8x100000xi32>
    %shift_right_logical3A_15 = arith.shrui %add3A_8, %shift_right_logical3A_14 : vector<8x100000xi32>
    %or3A = arith.ori %shift_left3A_13, %shift_right_logical3A_15 : vector<8x100000xi32>
    %xor3A = arith.xori %add3A_11, %or3A : vector<8x100000xi32>
    %add3A_16 = arith.addi %add3A_11, %xor3A : vector<8x100000xi32>
    %shift_left3A_17 = arith.constant 15 : i32
    %shift_left3A_18 = vector.broadcast %shift_left3A_17 : i32 to vector<8x100000xi32>
    %shift_left3A_19 = arith.shli %xor3A, %shift_left3A_18 : vector<8x100000xi32>
    %shift_right_logical3A_20 = arith.constant 17 : i32
    %shift_right_logical3A_21 = vector.broadcast %shift_right_logical3A_20 : i32 to vector<8x100000xi32>
    %shift_right_logical3A_22 = arith.shrui %xor3A, %shift_right_logical3A_21 : vector<8x100000xi32>
    %or3A_23 = arith.ori %shift_left3A_19, %shift_right_logical3A_22 : vector<8x100000xi32>
    %xor3A_24 = arith.xori %add3A_16, %or3A_23 : vector<8x100000xi32>
    %add3A_25 = arith.addi %add3A_16, %xor3A_24 : vector<8x100000xi32>
    %shift_left3A_26 = arith.constant 26 : i32
    %shift_left3A_27 = vector.broadcast %shift_left3A_26 : i32 to vector<8x100000xi32>
    %shift_left3A_28 = arith.shli %xor3A_24, %shift_left3A_27 : vector<8x100000xi32>
    %shift_right_logical3A_29 = arith.constant 6 : i32
    %shift_right_logical3A_30 = vector.broadcast %shift_right_logical3A_29 : i32 to vector<8x100000xi32>
    %shift_right_logical3A_31 = arith.shrui %xor3A_24, %shift_right_logical3A_30 : vector<8x100000xi32>
    %or3A_32 = arith.ori %shift_left3A_28, %shift_right_logical3A_31 : vector<8x100000xi32>
    %xor3A_33 = arith.xori %add3A_25, %or3A_32 : vector<8x100000xi32>
    %add3A_34 = arith.addi %add3A_25, %xor3A_33 : vector<8x100000xi32>
    %shift_left3A_35 = arith.constant 6 : i32
    %shift_left3A_36 = vector.broadcast %shift_left3A_35 : i32 to vector<8x100000xi32>
    %shift_left3A_37 = arith.shli %xor3A_33, %shift_left3A_36 : vector<8x100000xi32>
    %shift_right_logical3A_38 = arith.constant 26 : i32
    %shift_right_logical3A_39 = vector.broadcast %shift_right_logical3A_38 : i32 to vector<8x100000xi32>
    %shift_right_logical3A_40 = arith.shrui %xor3A_33, %shift_right_logical3A_39 : vector<8x100000xi32>
    %or3A_41 = arith.ori %shift_left3A_37, %shift_right_logical3A_40 : vector<8x100000xi32>
    %xor3A_42 = arith.xori %add3A_34, %or3A_41 : vector<8x100000xi32>
    %add3A_43 = arith.constant 12345 : i32
    %add3A_44 = vector.broadcast %add3A_43 : i32 to vector<8x100000xi32>
    %add3A_45 = arith.addi %add3A_34, %add3A_44 : vector<8x100000xi32>
    %add3A_46 = arith.constant 466693092 : i32
    %add3A_47 = vector.broadcast %add3A_46 : i32 to vector<8x100000xi32>
    %add3A_48 = arith.addi %xor3A_42, %add3A_47 : vector<8x100000xi32>
    %add3A_49 = arith.addi %add3A_45, %add3A_48 : vector<8x100000xi32>
    %shift_left3A_50 = arith.constant 17 : i32
    %shift_left3A_51 = vector.broadcast %shift_left3A_50 : i32 to vector<8x100000xi32>
    %shift_left3A_52 = arith.shli %add3A_48, %shift_left3A_51 : vector<8x100000xi32>
    %shift_right_logical3A_53 = arith.constant 15 : i32
    %shift_right_logical3A_54 = vector.broadcast %shift_right_logical3A_53 : i32 to vector<8x100000xi32>
    %shift_right_logical3A_55 = arith.shrui %add3A_48, %shift_right_logical3A_54 : vector<8x100000xi32>
    %or3A_56 = arith.ori %shift_left3A_52, %shift_right_logical3A_55 : vector<8x100000xi32>
    %xor3A_57 = arith.xori %add3A_49, %or3A_56 : vector<8x100000xi32>
    %add3A_58 = arith.addi %add3A_49, %xor3A_57 : vector<8x100000xi32>
    %shift_left3A_59 = arith.constant 29 : i32
    %shift_left3A_60 = vector.broadcast %shift_left3A_59 : i32 to vector<8x100000xi32>
    %shift_left3A_61 = arith.shli %xor3A_57, %shift_left3A_60 : vector<8x100000xi32>
    %shift_right_logical3A_62 = arith.constant 3 : i32
    %shift_right_logical3A_63 = vector.broadcast %shift_right_logical3A_62 : i32 to vector<8x100000xi32>
    %shift_right_logical3A_64 = arith.shrui %xor3A_57, %shift_right_logical3A_63 : vector<8x100000xi32>
    %or3A_65 = arith.ori %shift_left3A_61, %shift_right_logical3A_64 : vector<8x100000xi32>
    %xor3A_66 = arith.xori %add3A_58, %or3A_65 : vector<8x100000xi32>
    %add3A_67 = arith.addi %add3A_58, %xor3A_66 : vector<8x100000xi32>
    %shift_left3A_68 = arith.constant 16 : i32
    %shift_left3A_69 = vector.broadcast %shift_left3A_68 : i32 to vector<8x100000xi32>
    %shift_left3A_70 = arith.shli %xor3A_66, %shift_left3A_69 : vector<8x100000xi32>
    %shift_right_logical3A_71 = arith.constant 16 : i32
    %shift_right_logical3A_72 = vector.broadcast %shift_right_logical3A_71 : i32 to vector<8x100000xi32>
    %shift_right_logical3A_73 = arith.shrui %xor3A_66, %shift_right_logical3A_72 : vector<8x100000xi32>
    %or3A_74 = arith.ori %shift_left3A_70, %shift_right_logical3A_73 : vector<8x100000xi32>
    %xor3A_75 = arith.xori %add3A_67, %or3A_74 : vector<8x100000xi32>
    %add3A_76 = arith.addi %add3A_67, %xor3A_75 : vector<8x100000xi32>
    %shift_left3A_77 = arith.constant 24 : i32
    %shift_left3A_78 = vector.broadcast %shift_left3A_77 : i32 to vector<8x100000xi32>
    %shift_left3A_79 = arith.shli %xor3A_75, %shift_left3A_78 : vector<8x100000xi32>
    %shift_right_logical3A_80 = arith.constant 8 : i32
    %shift_right_logical3A_81 = vector.broadcast %shift_right_logical3A_80 : i32 to vector<8x100000xi32>
    %shift_right_logical3A_82 = arith.shrui %xor3A_75, %shift_right_logical3A_81 : vector<8x100000xi32>
    %or3A_83 = arith.ori %shift_left3A_79, %shift_right_logical3A_82 : vector<8x100000xi32>
    %xor3A_84 = arith.xori %add3A_76, %or3A_83 : vector<8x100000xi32>
    %add3A_85 = arith.constant 466693091 : i32
    %add3A_86 = vector.broadcast %add3A_85 : i32 to vector<8x100000xi32>
    %add3A_87 = arith.addi %add3A_76, %add3A_86 : vector<8x100000xi32>
    %add3A_88 = arith.constant 2 : i32
    %add3A_89 = vector.broadcast %add3A_88 : i32 to vector<8x100000xi32>
    %add3A_90 = arith.addi %xor3A_84, %add3A_89 : vector<8x100000xi32>
    %add3A_91 = arith.addi %add3A_87, %add3A_90 : vector<8x100000xi32>
    %shift_left3A_92 = arith.constant 13 : i32
    %shift_left3A_93 = vector.broadcast %shift_left3A_92 : i32 to vector<8x100000xi32>
    %shift_left3A_94 = arith.shli %add3A_90, %shift_left3A_93 : vector<8x100000xi32>
    %shift_right_logical3A_95 = arith.constant 19 : i32
    %shift_right_logical3A_96 = vector.broadcast %shift_right_logical3A_95 : i32 to vector<8x100000xi32>
    %shift_right_logical3A_97 = arith.shrui %add3A_90, %shift_right_logical3A_96 : vector<8x100000xi32>
    %or3A_98 = arith.ori %shift_left3A_94, %shift_right_logical3A_97 : vector<8x100000xi32>
    %xor3A_99 = arith.xori %add3A_91, %or3A_98 : vector<8x100000xi32>
    %add3A_100 = arith.addi %add3A_91, %xor3A_99 : vector<8x100000xi32>
    %shift_left3A_101 = arith.constant 15 : i32
    %shift_left3A_102 = vector.broadcast %shift_left3A_101 : i32 to vector<8x100000xi32>
    %shift_left3A_103 = arith.shli %xor3A_99, %shift_left3A_102 : vector<8x100000xi32>
    %shift_right_logical3A_104 = arith.constant 17 : i32
    %shift_right_logical3A_105 = vector.broadcast %shift_right_logical3A_104 : i32 to vector<8x100000xi32>
    %shift_right_logical3A_106 = arith.shrui %xor3A_99, %shift_right_logical3A_105 : vector<8x100000xi32>
    %or3A_107 = arith.ori %shift_left3A_103, %shift_right_logical3A_106 : vector<8x100000xi32>
    %xor3A_108 = arith.xori %add3A_100, %or3A_107 : vector<8x100000xi32>
    %add3A_109 = arith.addi %add3A_100, %xor3A_108 : vector<8x100000xi32>
    %shift_left3A_110 = arith.constant 26 : i32
    %shift_left3A_111 = vector.broadcast %shift_left3A_110 : i32 to vector<8x100000xi32>
    %shift_left3A_112 = arith.shli %xor3A_108, %shift_left3A_111 : vector<8x100000xi32>
    %shift_right_logical3A_113 = arith.constant 6 : i32
    %shift_right_logical3A_114 = vector.broadcast %shift_right_logical3A_113 : i32 to vector<8x100000xi32>
    %shift_right_logical3A_115 = arith.shrui %xor3A_108, %shift_right_logical3A_114 : vector<8x100000xi32>
    %or3A_116 = arith.ori %shift_left3A_112, %shift_right_logical3A_115 : vector<8x100000xi32>
    %xor3A_117 = arith.xori %add3A_109, %or3A_116 : vector<8x100000xi32>
    %add3A_118 = arith.addi %add3A_109, %xor3A_117 : vector<8x100000xi32>
    %shift_left3A_119 = arith.constant 6 : i32
    %shift_left3A_120 = vector.broadcast %shift_left3A_119 : i32 to vector<8x100000xi32>
    %shift_left3A_121 = arith.shli %xor3A_117, %shift_left3A_120 : vector<8x100000xi32>
    %shift_right_logical3A_122 = arith.constant 26 : i32
    %shift_right_logical3A_123 = vector.broadcast %shift_right_logical3A_122 : i32 to vector<8x100000xi32>
    %shift_right_logical3A_124 = arith.shrui %xor3A_117, %shift_right_logical3A_123 : vector<8x100000xi32>
    %or3A_125 = arith.ori %shift_left3A_121, %shift_right_logical3A_124 : vector<8x100000xi32>
    %xor3A_126 = arith.xori %add3A_118, %or3A_125 : vector<8x100000xi32>
    %add3A_127 = arith.constant 0 : i32
    %add3A_128 = vector.broadcast %add3A_127 : i32 to vector<8x100000xi32>
    %add3A_129 = arith.addi %add3A_118, %add3A_128 : vector<8x100000xi32>
    %add3A_130 = arith.constant 12348 : i32
    %add3A_131 = vector.broadcast %add3A_130 : i32 to vector<8x100000xi32>
    %add3A_132 = arith.addi %xor3A_126, %add3A_131 : vector<8x100000xi32>
    %add3A_133 = arith.addi %add3A_129, %add3A_132 : vector<8x100000xi32>
    %shift_left3A_134 = arith.constant 17 : i32
    %shift_left3A_135 = vector.broadcast %shift_left3A_134 : i32 to vector<8x100000xi32>
    %shift_left3A_136 = arith.shli %add3A_132, %shift_left3A_135 : vector<8x100000xi32>
    %shift_right_logical3A_137 = arith.constant 15 : i32
    %shift_right_logical3A_138 = vector.broadcast %shift_right_logical3A_137 : i32 to vector<8x100000xi32>
    %shift_right_logical3A_139 = arith.shrui %add3A_132, %shift_right_logical3A_138 : vector<8x100000xi32>
    %or3A_140 = arith.ori %shift_left3A_136, %shift_right_logical3A_139 : vector<8x100000xi32>
    %xor3A_141 = arith.xori %add3A_133, %or3A_140 : vector<8x100000xi32>
    %add3A_142 = arith.addi %add3A_133, %xor3A_141 : vector<8x100000xi32>
    %shift_left3A_143 = arith.constant 29 : i32
    %shift_left3A_144 = vector.broadcast %shift_left3A_143 : i32 to vector<8x100000xi32>
    %shift_left3A_145 = arith.shli %xor3A_141, %shift_left3A_144 : vector<8x100000xi32>
    %shift_right_logical3A_146 = arith.constant 3 : i32
    %shift_right_logical3A_147 = vector.broadcast %shift_right_logical3A_146 : i32 to vector<8x100000xi32>
    %shift_right_logical3A_148 = arith.shrui %xor3A_141, %shift_right_logical3A_147 : vector<8x100000xi32>
    %or3A_149 = arith.ori %shift_left3A_145, %shift_right_logical3A_148 : vector<8x100000xi32>
    %xor3A_150 = arith.xori %add3A_142, %or3A_149 : vector<8x100000xi32>
    %add3A_151 = arith.addi %add3A_142, %xor3A_150 : vector<8x100000xi32>
    %shift_left3A_152 = arith.constant 16 : i32
    %shift_left3A_153 = vector.broadcast %shift_left3A_152 : i32 to vector<8x100000xi32>
    %shift_left3A_154 = arith.shli %xor3A_150, %shift_left3A_153 : vector<8x100000xi32>
    %shift_right_logical3A_155 = arith.constant 16 : i32
    %shift_right_logical3A_156 = vector.broadcast %shift_right_logical3A_155 : i32 to vector<8x100000xi32>
    %shift_right_logical3A_157 = arith.shrui %xor3A_150, %shift_right_logical3A_156 : vector<8x100000xi32>
    %or3A_158 = arith.ori %shift_left3A_154, %shift_right_logical3A_157 : vector<8x100000xi32>
    %xor3A_159 = arith.xori %add3A_151, %or3A_158 : vector<8x100000xi32>
    %add3A_160 = arith.addi %add3A_151, %xor3A_159 : vector<8x100000xi32>
    %shift_left3A_161 = arith.constant 24 : i32
    %shift_left3A_162 = vector.broadcast %shift_left3A_161 : i32 to vector<8x100000xi32>
    %shift_left3A_163 = arith.shli %xor3A_159, %shift_left3A_162 : vector<8x100000xi32>
    %shift_right_logical3A_164 = arith.constant 8 : i32
    %shift_right_logical3A_165 = vector.broadcast %shift_right_logical3A_164 : i32 to vector<8x100000xi32>
    %shift_right_logical3A_166 = arith.shrui %xor3A_159, %shift_right_logical3A_165 : vector<8x100000xi32>
    %or3A_167 = arith.ori %shift_left3A_163, %shift_right_logical3A_166 : vector<8x100000xi32>
    %xor3A_168 = arith.xori %add3A_160, %or3A_167 : vector<8x100000xi32>
    %add3A_169 = arith.constant 12345 : i32
    %add3A_170 = vector.broadcast %add3A_169 : i32 to vector<8x100000xi32>
    %add3A_171 = arith.addi %add3A_160, %add3A_170 : vector<8x100000xi32>
    %add3A_172 = arith.constant 466693095 : i32
    %add3A_173 = vector.broadcast %add3A_172 : i32 to vector<8x100000xi32>
    %add3A_174 = arith.addi %xor3A_168, %add3A_173 : vector<8x100000xi32>
    %add3A_175 = arith.addi %add3A_171, %add3A_174 : vector<8x100000xi32>
    %shift_left3A_176 = arith.constant 13 : i32
    %shift_left3A_177 = vector.broadcast %shift_left3A_176 : i32 to vector<8x100000xi32>
    %shift_left3A_178 = arith.shli %add3A_174, %shift_left3A_177 : vector<8x100000xi32>
    %shift_right_logical3A_179 = arith.constant 19 : i32
    %shift_right_logical3A_180 = vector.broadcast %shift_right_logical3A_179 : i32 to vector<8x100000xi32>
    %shift_right_logical3A_181 = arith.shrui %add3A_174, %shift_right_logical3A_180 : vector<8x100000xi32>
    %or3A_182 = arith.ori %shift_left3A_178, %shift_right_logical3A_181 : vector<8x100000xi32>
    %xor3A_183 = arith.xori %add3A_175, %or3A_182 : vector<8x100000xi32>
    %add3A_184 = arith.addi %add3A_175, %xor3A_183 : vector<8x100000xi32>
    %shift_left3A_185 = arith.constant 15 : i32
    %shift_left3A_186 = vector.broadcast %shift_left3A_185 : i32 to vector<8x100000xi32>
    %shift_left3A_187 = arith.shli %xor3A_183, %shift_left3A_186 : vector<8x100000xi32>
    %shift_right_logical3A_188 = arith.constant 17 : i32
    %shift_right_logical3A_189 = vector.broadcast %shift_right_logical3A_188 : i32 to vector<8x100000xi32>
    %shift_right_logical3A_190 = arith.shrui %xor3A_183, %shift_right_logical3A_189 : vector<8x100000xi32>
    %or3A_191 = arith.ori %shift_left3A_187, %shift_right_logical3A_190 : vector<8x100000xi32>
    %xor3A_192 = arith.xori %add3A_184, %or3A_191 : vector<8x100000xi32>
    %add3A_193 = arith.addi %add3A_184, %xor3A_192 : vector<8x100000xi32>
    %shift_left3A_194 = arith.constant 26 : i32
    %shift_left3A_195 = vector.broadcast %shift_left3A_194 : i32 to vector<8x100000xi32>
    %shift_left3A_196 = arith.shli %xor3A_192, %shift_left3A_195 : vector<8x100000xi32>
    %shift_right_logical3A_197 = arith.constant 6 : i32
    %shift_right_logical3A_198 = vector.broadcast %shift_right_logical3A_197 : i32 to vector<8x100000xi32>
    %shift_right_logical3A_199 = arith.shrui %xor3A_192, %shift_right_logical3A_198 : vector<8x100000xi32>
    %or3A_200 = arith.ori %shift_left3A_196, %shift_right_logical3A_199 : vector<8x100000xi32>
    %xor3A_201 = arith.xori %add3A_193, %or3A_200 : vector<8x100000xi32>
    %add3A_202 = arith.addi %add3A_193, %xor3A_201 : vector<8x100000xi32>
    %shift_left3A_203 = arith.constant 6 : i32
    %shift_left3A_204 = vector.broadcast %shift_left3A_203 : i32 to vector<8x100000xi32>
    %shift_left3A_205 = arith.shli %xor3A_201, %shift_left3A_204 : vector<8x100000xi32>
    %shift_right_logical3A_206 = arith.constant 26 : i32
    %shift_right_logical3A_207 = vector.broadcast %shift_right_logical3A_206 : i32 to vector<8x100000xi32>
    %shift_right_logical3A_208 = arith.shrui %xor3A_201, %shift_right_logical3A_207 : vector<8x100000xi32>
    %or3A_209 = arith.ori %shift_left3A_205, %shift_right_logical3A_208 : vector<8x100000xi32>
    %xor3A_210 = arith.xori %add3A_202, %or3A_209 : vector<8x100000xi32>
    %add3A_211 = arith.constant 466693091 : i32
    %add3A_212 = vector.broadcast %add3A_211 : i32 to vector<8x100000xi32>
    %add3A_213 = arith.addi %add3A_202, %add3A_212 : vector<8x100000xi32>
    %add3A_214 = arith.constant 5 : i32
    %add3A_215 = vector.broadcast %add3A_214 : i32 to vector<8x100000xi32>
    %add3A_216 = arith.addi %xor3A_210, %add3A_215 : vector<8x100000xi32>
    %xor3A_217 = arith.xori %add3A_213, %add3A_216 : vector<8x100000xi32>
    %get3A_218 = arith.constant 0 : index
    %get3A_219 = memref.load %arg4[%get3A_218] : memref<1xi32, #tpu.memory_space<smem>>
    %lt3A = vector.broadcast %get3A_219 : i32 to vector<8x100000xi32>
    %lt3A_220 = arith.cmpi ult, %xor3A_217, %lt3A : vector<8x100000xi32>
    %get3A_221 = arith.constant 0 : index
    %get3A_222 = arith.constant 0 : index
    %get3A_223 = vector.load %arg3[%get3A_221, %get3A_222] : memref<8x100000xf32, #tpu.memory_space<vmem>>, vector<8x100000xf32>
    %get3A_224 = arith.constant 0 : index
    %get3A_225 = arith.constant 0 : index
    %get3A_226 = vector.load %arg2[%get3A_224, %get3A_225] : memref<8x100000xf32, #tpu.memory_space<vmem>>, vector<8x100000xf32>
    %select_n3A = arith.select %lt3A_220, %get3A_223, %get3A_226 : vector<8x100000xi1>, vector<8x100000xf32>
    %swap3A = arith.constant 0 : index
    %swap3A_227 = arith.constant 0 : index
    %swap3A_228 = vector.load %arg5[%swap3A, %swap3A_227] : memref<8x100000xf32, #tpu.memory_space<vmem>>, vector<8x100000xf32>
    tpu.vector_store %arg5[%swap3A, %swap3A_227], %select_n3A {strides = array<i32>} : memref<8x100000xf32, #tpu.memory_space<vmem>>, vector<8x100000xf32>,
    return
  }
  func.func @transform_0(%arg0: i32) -> (i32, i32) {
    %c0_i32 = arith.constant 0 : i32
    %c0_i32_0 = arith.constant 0 : i32
    %c0_i32_1 = arith.constant 0 : i32
    return %c0_i32, %c0_i32_0 : i32, i32
  }
  func.func @transform_1(%arg0: i32) -> (i32, i32) {
    %c0_i32 = arith.constant 0 : i32
    %c0_i32_0 = arith.constant 0 : i32
    return %arg0, %c0_i32 : i32, i32
  }
  func.func @transform_2(%arg0: i32) -> (i32, i32) {
    %c0_i32 = arith.constant 0 : i32
    %c0_i32_0 = arith.constant 0 : i32
    return %arg0, %c0_i32 : i32, i32
  }
  func.func @transform_3(%arg0: i32) -> i32 {
    %c0_i32 = arith.constant 0 : i32
    %c0_i32_0 = arith.constant 0 : i32
    return %c0_i32 : i32
  }
  func.func @transform_4(%arg0: i32) -> (i32, i32) {
    %c0_i32 = arith.constant 0 : i32
    %c0_i32_0 = arith.constant 0 : i32
    return %arg0, %c0_i32 : i32, i32
  }
}

</mosaic_0001>

<sc_bundles>
// kernel: kernel.4.cloned.1.call-start
scs
__scs_entry_jumppad:
0x0: {  	(pc) =	sbr.rel $0x88, $3  }
0x1: {  	(tag) =	ssettag $0x0;
	lr =	simm.s32 $0x1  }
0x2: {  	[smem:$0x3F9E] =	sst lr;
	_ =	strace $0xD0000000  }
0x3: {  	_ = 	snop  }
0x4: {  	_ = 	snop  }
0x5: {  	_ = 	snop  }
0x6: {  	_ = 	snop  }
0x7: {  	_ = 	snop  }
__scs_overlays_trampoline_lowered:
0x8: {  	[smem:$0x3FAD] =	sst s0  }
0x9: {  	[smem:$0x3FAE] =	sst s1  }
0xa: {  	[smem:$0x3FAF] =	sst s2  }
0xb: {  	[smem:$0x3FB0] =	sst s3  }
0xc: {  	[smem:$0x3FB1] =	sst s4  }
0xd: {  	[smem:$0x3FB2] =	sst s5  }
0xe: {  	[smem:$0x3FB3] =	sst s6  }
0xf: {  	[smem:$0x3FB4] =	sst s7  }
0x10: {  	[smem:$0x3FB5] =	sst s8  }
0x11: {  	[smem:$0x3FB6] =	sst s9;
	s0 =	simm.s32 @!p0 $0x0  }
0x12: {  	s1 =	sld [smem:$0x3F9C];
	s0 =	simm.s32 @p0 $0x1  }
0x13: {  	[smem:$0x3FB7] =	sst s0;
	s0 =	simm.s32 @!p1 $0x0  }
0x14: {  	s2 =	sld [smem:$0x3F9B];
	s0 =	simm.s32 @p1 $0x1  }
0x15: {  	[smem:$0x3FB8] =	sst s0;
	s0 =	simm.s32 @!p2 $0x0  }
0x16: {  	s3 =	sld [smem:$0x3FDB];
	s0 =	simm.s32 @p2 $0x1  }
0x17: {  	s4 =	simm.s32 $0x1BF5;
	[smem:$0x3FBA] =	sst s0  }
0x18: {  	s0 =	sld [smem:$0x3F9D];
	_ =	swait.ge [sflag:s4], $0x0  }
0x19: {  	s7 =	sld [smem:$0x3F9E]  }
0x1a: {  	s8 =	sadd.s32 $0xFFFFE003, lr  }
0x1b: {  	s9 =	sadd.s32 $0xFFFFFEF7, lr;
	s5 =	simm.s32 $0xFFFFFFFF;
	p2 =	slt.u32 s8, $0xFFFFF086  }
0x1c: {  	p1 =	slt.u32 s9, $0xF7A;
	s5 =	simm.s32 @!p2 $0x0  }
0x1d: {  	s5 =	simm.s32 @p1 $0x1;
	p0 =	seq.s32 s7, s2  }
0x1e: {  	s7 =	smul.u32 @!p0 $0xF7A, s2;
	p2 =	seq.s32 @!p0 s5, $0x0  }
0x1f: {  	s9 =	smul.u32 $0xF7A, s1;
	s8 =	simm.s32 @!p0 $0x1BF5;
	p2 =	por !p2, p0  }
0x20: {  	[sflag:s8] =	ssyncset.s32 @!p0 $0xFFFFF086;
	s6 =	sadd.s32 @!p0 s3, s7;
	s7 =	simm.s32 @!p0 $0x108  }
0x21: {  	s3 =	sadd.s32 s3, s9;
	s6 =	sadd.s32 @!p0 $0x88, s6;
	s7 =	simm.s32 @p2 $0x1082  }
0x22: {  	[simem:s7], [sflag:s8] =	dma.local @!p0 [hbm:s6], $0xF7A  }
0x23: {  	s9 =	sor.u32 $0xD0000000, s2;
	s6 =	simm.s32 $0x108;
	_ =	swait.ge @!p0 [sflag:s8], $0x0  }
0x24: {  	s3 =	sadd.s32 $0x88, s3;
	s6 =	simm.s32 @!p1 $0x1082;
	[sflag:s4] =	ssyncset.s32 $0xFFFFF086  }
0x25: {  	[simem:s6], [sflag:s4] =	dma.local [hbm:s3], $0xF7A  }
0x26: {  	[smem:$0x3F9E] =	sst s1;
	(tag) =	ssettag s2;
	_ =	strace s9  }
0x27: {  	s1 =	sld [smem:$0x3FAE]  }
0x28: {  	s2 =	sld [smem:$0x3FAF]  }
0x29: {  	s4 =	sld [smem:$0x3FB1]  }
0x2a: {  	p0 =	seq.s32 s5, $0x0;
	s5 =	sld [smem:$0x3FB2]  }
0x2b: {  	s6 =	sld [smem:$0x3FB3]  }
0x2c: {  	s7 =	sld [smem:$0x3FB4]  }
0x2d: {  	s3 =	simm.s32 $0x108;
	s8 =	sld [smem:$0x3FB5]  }
0x2e: {  	s3 =	simm.s32 @!p0 $0x1082;
	s9 =	sld [smem:$0x3FB6]  }
0x2f: {  	lr =	sadd.s32 s0, s3;
	s0 =	sld [smem:$0x3FAD]  }
0x30: {  	s3 =	sld [smem:$0x3FB0]  }
0x31: {  	[smem:$0x3FB9] =	sst s10  }
0x32: {  	s10 =	sld [smem:$0x3FB7];
	_ =	sdelay $0x3  }
0x33: {  	p0 =	seq.s32 s10, $0x1;
	s10 =	sld [smem:$0x3FB9];
	_ =	sdelay $0x3  }
0x34: {  	[smem:$0x3FB9] =	sst s10  }
0x35: {  	s10 =	sld [smem:$0x3FB8];
	_ =	sdelay $0x3  }
0x36: {  	p1 =	seq.s32 s10, $0x1;
	s10 =	sld [smem:$0x3FB9];
	_ =	sdelay $0x3  }
0x37: {  	[smem:$0x3FB9] =	sst s10  }
0x38: {  	s10 =	sld [smem:$0x3FBA]  }
0x39: {  	_ = 	snop;
	(pc) =	sbr.ind lr, $3  }
0x3a: {  	_ = 	snop  }
0x3b: {  	_ = 	snop  }
0x3c: {  	p2 =	seq.s32 s10, $0x1;
	s10 =	sld [smem:$0x3FB9]  }
0x3d: {  	_ =	shalt  }
0x3e: {  	_ =	shalt  }
0x3f: {  	_ =	shalt  }
0x40: {  	_ =	shalt  }
0x41: {  	_ =	shalt  }
0x42: {  	_ =	shalt  }
0x43: {  	_ =	shalt  }
0x44: {  	_ =	shalt  }
0x45: {  	_ =	shalt  }
0x46: {  	_ =	shalt  }
0x47: {  	_ =	shalt  }
0x48: {  	_ =	shalt  }
0x49: {  	_ =	shalt  }
0x4a: {  	_ =	shalt  }
0x4b: {  	_ =	shalt  }
0x4c: {  	_ =	shalt  }
0x4d: {  	_ =	shalt  }
0x4e: {  	_ =	shalt  }
0x4f: {  	_ =	shalt  }
0x50: {  	_ =	shalt  }
0x51: {  	_ =	shalt  }
0x52: {  	_ =	shalt  }
0x53: {  	_ =	shalt  }
0x54: {  	_ =	shalt  }
0x55: {  	_ =	shalt  }
0x56: {  	_ =	shalt  }
0x57: {  	_ =	shalt  }
0x58: {  	_ =	shalt  }
0x59: {  	_ =	shalt  }
0x5a: {  	_ =	shalt  }
0x5b: {  	_ =	shalt  }
0x5c: {  	_ =	shalt  }
0x5d: {  	_ =	shalt  }
0x5e: {  	_ =	shalt  }
0x5f: {  	_ =	shalt  }
0x60: {  	_ =	shalt  }
0x61: {  	_ =	shalt  }
0x62: {  	_ =	shalt  }
0x63: {  	_ =	shalt  }
0x64: {  	_ =	shalt  }
0x65: {  	_ =	shalt  }
0x66: {  	_ =	shalt  }
0x67: {  	_ =	shalt  }
0x68: {  	_ =	shalt  }
0x69: {  	_ =	shalt  }
0x6a: {  	_ =	shalt  }
0x6b: {  	_ =	shalt  }
0x6c: {  	_ =	shalt  }
0x6d: {  	_ =	shalt  }
0x6e: {  	_ =	shalt  }
0x6f: {  	_ =	shalt  }
0x70: {  	_ =	shalt  }
0x71: {  	_ =	shalt  }
0x72: {  	_ =	shalt  }
0x73: {  	_ =	shalt  }
0x74: {  	_ =	shalt  }
0x75: {  	_ =	shalt  }
0x76: {  	_ =	shalt  }
0x77: {  	_ =	shalt  }
0x78: {  	_ =	shalt  }
0x79: {  	_ =	shalt  }
0x7a: {  	_ =	shalt  }
0x7b: {  	_ =	shalt  }
0x7c: {  	_ =	shalt  }
0x7d: {  	_ =	shalt  }
0x7e: {  	_ =	shalt  }
0x7f: {  	_ =	shalt  }
0x80: {  	_ =	shalt  }
0x81: {  	_ =	shalt  }
0x82: {  	_ =	shalt  }
0x83: {  	_ =	shalt  }
0x84: {  	_ =	shalt  }
0x85: {  	_ =	shalt  }
0x86: {  	_ =	shalt  }
0x87: {  	_ =	shalt  }
.Lfunc_end0:
.L_simem_size_0:
called_computation.1_lowered:
.L_overlay_start_0:
0x88: {  	s2 =	sld [smem:$0x3FD9]  }
0x89: {  	s3 =	sld [smem:$0x3FFE];
	_ =	sdelay $0x1  }
0x8a: {  	s1 =	srdreg.scid  }
0x8b: {  	s0 =	sand.u32 $0x1, s1  }
0x8c: {  	s17 =	sshll.u32 s0, $0xA;
	s2 =	sadd.s32 s3, s2  }
0x8d: {  	s2 =	sadd.s32 s2, s17  }
0x8e: {  	[smem:$0x3FC5] =	sst s2  }
0x8f: {  	_ = 	snop  }
0x90: {  	s2 =	sld [smem:$0x3FD0];
	(tm) =	ssettm $0x1  }
0x91: {  	s18 =	sld [smem:$0x3FFB];
	_ =	sdelay $0x3  }
0x92: {  	_ =	strace s18  }
0x93: {  	s3 =	sld [smem:$0x3FFC];
	_ =	sdelay $0x3  }
0x94: {  	_ =	strace s3  }
0x95: {  	s3 =	sld [smem:$0x3FFD];
	_ =	sdelay $0x3  }
0x96: {  	_ =	strace s3  }
0x97: {  	_ =	strace $0x8FFFFFFF  }
0x98: {  	s19 =	sld [smem:$0x3FDB];
	_ =	sdelay $0x1  }
0x99: {  	s4 =	simm.s32 $_scs_section_size  }
0x9a: {  	s5 =	simm.s32 $_size__tile_overlayer_lowered;
	s6 =	simm.s32 $_tile_overlayer_lowered  }
0x9b: {  	s22 =	simm.s32 $0x1BFF;
	s21 =	sshll.u32 s6, $0x1;
	s3 =	sadd.s32 s4, s19  }
0x9c: {  	s7 =	simm.s32 $0x0;
	s20 =	sshll.u32 s5, $0x1;
	s5 =	sadd.s32 s21, s3  }
0x9d: {  	[timem:s7], [sflag:s22] =	dma.local [hbm:s5], s20  }
0x9e: {  	_ =	swait.ge [sflag:s22], s20  }
0x9f: {  	s4 =	ssub.s32 $0x0, s20;
	[sflag:s22] =	ssyncset.done $0x0  }
0xa0: {  	[sflag:s22] =	ssyncadd.s32 s4;
	_ =	sdelay $0x1  }
0xa1: {  	s23 =	simm.s32 $0x1B8B  }
0xa2: {  	_ =	swait.ge [sflag:s23], $0x1  }
0xa3: {  	[sflag:s23] =	ssyncset.done $0x0  }
0xa4: {  	s25 =	simm.s32 $0x1B8E;
	s24 =	sld [smem:$0x3FFE];
	[sflag:s23] =	ssyncadd.s32 $0xFFFFFFFF  }
0xa5: {  	s26 =	simm.s32 $execute0_lowered;
	[smem:$0x3FD2] =	sst s25  }
0xa6: {  	s5 =	sshll.u32 s26, $0x1;
	_ =	strace $0x80000046;
	[dreg:$0x1] =	wrdreg $0xFFFFFFFF  }
0xa7: {  	s28 =	simm.s32 $_size_execute0_lowered;
	s3 =	sadd.s32 s3, s5;
	[dreg:$0x0] =	wrdreg $0x0  }
0xa8: {  	s5 =	sshll.u32 s28, $0x1;
	[dreg:$0x2] =	wrdreg s3  }
0xa9: {  	[dreg:$0x3] =	wrdreg s5  }
0xaa: {  	[dreg:$0x4] =	wrdreg $0xC0  }
0xab: {  	_ =	task [dreg:s7], $0x5FFFF  }
0xac: {  	[dreg:$0x1] =	wrdreg $0xFFFFFFFF  }
0xad: {  	[dreg:$0x0] =	wrdreg $0x60  }
0xae: {  	[dreg:$0x2] =	wrdreg s2  }
0xaf: {  	[dreg:$0x3] =	wrdreg s24  }
0xb0: {  	[dreg:$0x4] =	wrdreg $0x9  }
0xb1: {  	_ =	task.clear_ibuf [dreg:s7], $0x5FFFF;
	_ =	strace $0x90000046  }
0xb2: {  	s29 =	simm.s32 $0x9;
	_ =	strace $0x80000048  }
0xb3: {  	_ =	swait.ge [sflag:s29], $0x1  }
0xb4: {  	[sflag:s29] =	ssyncadd.s32 $0xFFFFFFFF  }
0xb5: {  	_ =	strace $0x90000048  }
0xb6: {  	_ =	sfence  }
0xb7: {  	s30 =	sld [smem:$0x0];
	_ =	sdelay $0x2  }
0xb8: {  	s31 =	sshll.u32 s1, $0xD;
	s1 =	sshrl.u32 s1, $0x2  }
0xb9: {  	s3 =	sand.u32 $0x4000, s31;
	s1 =	sadd.s32 s1, s30  }
0xba: {  	s0 =	sor.u32 s3, s0;
	s1 =	sshll.u32 s1, $0x11  }
0xbb: {  	s0 =	sor.u32 s1, s0  }
0xbc: {  	s0 =	sadd.s32 $0x8F2B, s0  }
0xbd: {  	[sflag:s0] =	ssyncadd.remote.s32 $0x1  }
0xbe: {  	_ =	sfence.sel $0xFFFF  }
0xbf: {  	[dreg:$0x0] =	wrdreg $0xFFFFFFFF;
	(pc) =	sbr.abs _section_cstart, $3  }
0xc0: {  	[dreg:$0x1] =	wrdreg $0xFFFFFFFF  }
0xc1: {  	_ =	task.clear_ibuf [dreg:s7], $0x2FFFF;
	_ =	strace $0x9FFFFFFF  }
0xc2: {  	(tm) =	ssettm $0x7FFFFFFF  }
0xc3: {  	_ =	shalt  }
tec
execute0_lowered:
.L_overlay_start_1:
0x0: {  	(tag) =	ssettag $0x1  }
0x1: {  	s1 =	rddreg [dreg:$0x0]  }
0x2: {  	s6 =	rddreg [dreg:$0x1]  }
0x3: {  	s0 =	rddreg [dreg:$0x2];
	s2 =	simm.s32 $0x0  }
0x4: {  	s5 =	srdreg.scid;
	s3 =	stileid.u32;
	s13 =	simm.s32 $0x1000  }
0x5: {  	s14 =	simm.s32 $0x0;
	[smem:$0x7FF] =	sst s2;
	s4 =	sadd.s32 $0x30E800, s6  }
0x6: {  	s7 =	sand.u32 $0x1, s5;
	s5 =	sadd.s32 $0x495400, s6;
	s9 =	smul.u32 $0x186A0, s3  }
0x7: {  	s11 =	sshll.u32 s3, $0x1;
	s6 =	sadd.s32 $0x495600, s6;
	_ =	strace $0x80000047  }
0x8: {  	s8 =	ssub.s32 $0x2, s7;
	s12 =	smul.u32 $0xC350, s7;
	s7 =	sor.u32 s7, s11  }
0x9: {  	s11 =	simm.s32 $0x1;
	s10 =	sshrl.u32 s8, $0x1;
	s7 =	smul.u32 $0xC350, s7  }
0xa: {  	v0 =	vlaneseq.u32;
	s8 =	ssub.s32 s8, s10;
	s9 =	sadd.s32 s12, s9;
	s10 =	simm.s32 $0x1800  }
0xb: {  	v0 =	vadd.s32 $0x3039, v0;
	s12 =	simm.s32 $0x800;
	s8 =	smax.u32 s8, $0x1;
	s9 =	sadd.s32 $0xAAE600, s9  }
.LBB2_1:
0xc: {  	[tilespmem:s10], [sflag:$0x1] =	stream.linear.gather [hbm4b:s5+s2], $0x80, $0x38;
	[tilespmem:$0x1880] =	vst v63  }
0xd: {  	_ =	swait.ge [sflag:s11], $0x80  }
0xe: {  	[sflag:s11] =	ssyncset.done $0x0  }
0xf: {  	[sflag:s11] =	ssyncadd.s32 $0xFFFFFF80  }
0x10: {  	s15 =	smov.u32 s9;
	s16 =	simm.s32 $0x0;
	v1 =	vld [tilespmem:$0x1800]  }
.LBB2_2:
0x11: {  	v2 =	vadd.s32 s15, v0  }
0x12: {  	v3 =	vshrl.u32 v2, $0x13;
	v4 =	vshll.u32 v2, $0xD  }
0x13: {  	v3 =	vor.u32 v3, v4  }
0x14: {  	v3 =	vxor.u32 v2, v3  }
0x15: {  	v4 =	vshrl.u32 v3, $0x11;
	v5 =	vshll.u32 v3, $0xF  }
0x16: {  	v2 =	vadd.s32 v2, v3;
	v4 =	vor.u32 v4, v5  }
0x17: {  	v3 =	vxor.u32 v4, v2  }
0x18: {  	s17 =	sadd.s32 $0x10, s15;
	v4 =	vshrl.u32 v3, $0x6;
	v5 =	vshll.u32 v3, $0x1A  }
0x19: {  	v6 =	vadd.s32 s17, v0;
	v2 =	vadd.s32 v2, v3;
	v3 =	vor.u32 v4, v5  }
0x1a: {  	v4 =	vshrl.u32 v6, $0x13;
	v5 =	vshll.u32 v6, $0xD;
	v3 =	vxor.u32 v3, v2  }
0x1b: {  	v4 =	vor.u32 v4, v5;
	v5 =	vshrl.u32 v3, $0x1A  }
0x1c: {  	v7 =	vshll.u32 v3, $0x6;
	v4 =	vxor.u32 v6, v4;
	v2 =	vadd.s32 v2, v3  }
0x1d: {  	v3 =	vor.u32 v5, v7;
	v5 =	vshll.u32 v4, $0xF;
	v7 =	vshrl.u32 v4, $0x11  }
0x1e: {  	v4 =	vadd.s32 v6, v4;
	v3 =	vxor.u32 v3, v2;
	v5 =	vor.u32 v7, v5  }
0x1f: {  	v3 =	vadd.s32 $0x1BD12BE4, v3;
	v5 =	vxor.u32 v5, v4  }
0x20: {  	v2 =	vadd.s32 v3, v2;
	v6 =	vshrl.u32 v3, $0xF;
	v3 =	vshll.u32 v3, $0x11  }
0x21: {  	v4 =	vadd.s32 v4, v5;
	v2 =	vadd.s32 $0x3039, v2;
	v3 =	vor.u32 v6, v3  }
0x22: {  	v6 =	vshrl.u32 v5, $0x6;
	v5 =	vshll.u32 v5, $0x1A;
	v3 =	vxor.u32 v3, v2  }
0x23: {  	v5 =	vor.u32 v6, v5;
	v7 =	vshrl.u32 v3, $0x3;
	v8 =	vshll.u32 v3, $0x1D  }
0x24: {  	v2 =	vadd.s32 v2, v3;
	v5 =	vxor.u32 v5, v4;
	v3 =	vor.u32 v7, v8  }
0x25: {  	v6 =	vshrl.u32 v5, $0x1A;
	v9 =	vshll.u32 v5, $0x6;
	v3 =	vxor.u32 v3, v2  }
0x26: {  	v4 =	vadd.s32 v4, v5;
	v7 =	vshrl.u32 v3, $0x10;
	v56 =	vshll.u32 v3, $0x10  }
0x27: {  	v6 =	vor.u32 v6, v9;
	v2 =	vadd.s32 v2, v3;
	v3 =	vor.u32 v7, v56  }
0x28: {  	v5 =	vxor.u32 v6, v4;
	v3 =	vxor.u32 v3, v2  }
0x29: {  	v5 =	vadd.s32 $0x1BD12BE4, v5;
	v6 =	vshrl.u32 v3, $0x8;
	v7 =	vshll.u32 v3, $0x18  }
0x2a: {  	v4 =	vadd.s32 v5, v4;
	v2 =	vadd.s32 v2, v3;
	v3 =	vor.u32 v6, v7  }
0x2b: {  	v4 =	vadd.s32 $0x3039, v4;
	v3 =	vxor.u32 v3, v2  }
0x2c: {  	v6 =	vshll.u32 v5, $0x11;
	v5 =	vshrl.u32 v5, $0xF;
	v3 =	vadd.s32 $0x2, v3  }
0x2d: {  	v2 =	vadd.s32 v3, v2;
	v7 =	vshrl.u32 v3, $0x13;
	v3 =	vshll.u32 v3, $0xD  }
0x2e: {  	v5 =	vor.u32 v5, v6;
	v2 =	vadd.s32 $0x1BD12BE3, v2;
	v3 =	vor.u32 v7, v3  }
0x2f: {  	v5 =	vxor.u32 v5, v4;
	v3 =	vxor.u32 v3, v2  }
0x30: {  	v6 =	vshll.u32 v5, $0x1D;
	v7 =	vshrl.u32 v3, $0x11;
	v57 =	vshll.u32 v3, $0xF  }
0x31: {  	v58 =	vshrl.u32 v5, $0x3;
	v2 =	vadd.s32 v2, v3;
	v3 =	vor.u32 v7, v57  }
0x32: {  	v4 =	vadd.s32 v4, v5;
	v5 =	vor.u32 v58, v6;
	v3 =	vxor.u32 v3, v2  }
0x33: {  	v5 =	vxor.u32 v5, v4;
	v6 =	vshll.u32 v3, $0x1A;
	v7 =	vshrl.u32 v3, $0x6  }
0x34: {  	v59 =	vshll.u32 v5, $0x10;
	v2 =	vadd.s32 v2, v3;
	v3 =	vor.u32 v7, v6  }
0x35: {  	v4 =	vadd.s32 v4, v5;
	v6 =	vshrl.u32 v5, $0x10;
	v3 =	vxor.u32 v3, v2  }
0x36: {  	v5 =	vor.u32 v6, v59;
	v6 =	vshrl.u32 v3, $0x1A;
	v7 =	vshll.u32 v3, $0x6  }
0x37: {  	v5 =	vxor.u32 v5, v4;
	v2 =	vadd.s32 v2, v3;
	v3 =	vor.u32 v6, v7  }
0x38: {  	v6 =	vshll.u32 v5, $0x18;
	v7 =	vshrl.u32 v5, $0x8;
	v3 =	vxor.u32 v3, v2  }
0x39: {  	v4 =	vadd.s32 v4, v5;
	v5 =	vor.u32 v7, v6;
	v3 =	vadd.s32 $0x303C, v3  }
0x3a: {  	v5 =	vxor.u32 v5, v4;
	v6 =	vshrl.u32 v3, $0xF;
	v7 =	vshll.u32 v3, $0x11  }
0x3b: {  	v5 =	vadd.s32 $0x2, v5;
	v2 =	vadd.s32 v2, v3;
	v3 =	vor.u32 v6, v7  }
0x3c: {  	v4 =	vadd.s32 v5, v4;
	v6 =	vshrl.u32 v5, $0x13;
	v3 =	vxor.u32 v3, v2  }
0x3d: {  	v5 =	vshll.u32 v5, $0xD;
	v4 =	vadd.s32 $0x1BD12BE3, v4;
	v7 =	vshrl.u32 v3, $0x3  }
0x3e: {  	v60 =	vshll.u32 v3, $0x1D;
	v2 =	vadd.s32 v2, v3;
	v3 =	vor.u32 v6, v5  }
0x3f: {  	v7 =	vor.u32 v7, v60;
	v3 =	vxor.u32 v3, v4  }
0x40: {  	v5 =	vxor.u32 v7, v2;
	v61 =	vshrl.u32 v3, $0x11  }
0x41: {  	v4 =	vadd.s32 v4, v3;
	v6 =	vshrl.u32 v5, $0x10;
	v7 =	vshll.u32 v5, $0x10  }
0x42: {  	v3 =	vshll.u32 v3, $0xF;
	v2 =	vadd.s32 v2, v5;
	v5 =	vor.u32 v6, v7  }
0x43: {  	v3 =	vor.u32 v61, v3;
	v5 =	vxor.u32 v5, v2  }
0x44: {  	v3 =	vxor.u32 v3, v4;
	v6 =	vshrl.u32 v5, $0x8;
	v7 =	vshll.u32 v5, $0x18  }
0x45: {  	s31 =	smul.u32 $0x7D0, s16;
	v4 =	vadd.s32 v4, v3;
	v2 =	vadd.s32 v2, v5;
	v5 =	vor.u32 v6, v7  }
0x46: {  	v6 =	vshrl.u32 v3, $0x6;
	v3 =	vshll.u32 v3, $0x1A;
	v5 =	vxor.u32 v5, v2  }
0x47: {  	s21 =	sadd.s32 s7, s31;
	v3 =	vor.u32 v6, v3;
	v5 =	vadd.s32 $0x1BD12BE7, v5  }
0x48: {  	s17 =	sshrl.u32 s21, $0x3;
	v3 =	vxor.u32 v3, v4;
	v2 =	vadd.s32 v5, v2  }
0x49: {  	s18 =	sadd.s32 $0x155CC0, s17;
	v6 =	vshrl.u32 v5, $0x13;
	v5 =	vshll.u32 v5, $0xD;
	v7 =	vshrl.u32 v3, $0x1A  }
0x4a: {  	s19 =	sadd.s32 s1, s18;
	v2 =	vadd.s32 $0x3039, v2;
	v5 =	vor.u32 v6, v5;
	v6 =	vshll.u32 v3, $0x6  }
0x4b: {  	[tilespmem:s2], [sflag:$0x1] =	stream.linear.gather [hbm4b:s19+s2], $0x7D0, $0x38;
	v3 =	vadd.s32 v4, v3;
	v5 =	vxor.u32 v5, v2;
	v4 =	vor.u32 v7, v6;
	[tilespmem:$0x1880] =	vst v63  }
0x4c: {  	_ =	swait.ge [sflag:s11], $0x7D0;
	v6 =	vshrl.u32 v5, $0x11;
	v4 =	vxor.u32 v4, v3  }
0x4d: {  	s22 =	simm.s32 $0x10;
	[sflag:s11] =	ssyncset.done $0x0;
	v7 =	vshll.u32 v5, $0xF;
	v2 =	vadd.s32 v2, v5;
	v4 =	vadd.s32 $0x303C, v4  }
0x4e: {  	s23 =	simm.s32 $0x0;
	s18 =	sadd.s32 s4, s18;
	[sflag:s11] =	ssyncadd.s32 $0xFFFFF830;
	v5 =	vor.u32 v6, v7;
	v6 =	vshrl.u32 v4, $0xF;
	v7 =	vshll.u32 v4, $0x11  }
0x4f: {  	[tilespmem:s12], [sflag:$0x1] =	stream.linear.gather [hbm4b:s18+s2], $0x7D0, $0x38;
	v62 =	vxor.u32 v5, v2;
	v3 =	vadd.s32 v3, v4;
	v4 =	vor.u32 v6, v7;
	[tilespmem:$0x1880] =	vst v63  }
0x50: {  	s24 =	sadd.s32 $0x20, s15;
	s25 =	simm.s32 $0x1030;
	_ =	swait.ge [sflag:s11], $0x7D0;
	v5 =	vshrl.u32 v62, $0x6;
	v6 =	vshll.u32 v62, $0x1A;
	v7 =	vxor.u32 v4, v3  }
0x51: {  	s26 =	simm.s32 $0x830;
	s20 =	simm.s32 $0x10;
	[sflag:s11] =	ssyncset.done $0x0;
	v5 =	vor.u32 v5, v6;
	v6 =	vshrl.u32 v7, $0x3;
	v63 =	vshll.u32 v7, $0x1D  }
0x52: {  	s19 =	simm.s32 $0x810;
	s18 =	simm.s32 $0x1010;
	[sflag:s11] =	ssyncadd.s32 $0xFFFFF830;
	v4 =	vadd.s32 v2, v62;
	v2 =	vadd.s32 v3, v7;
	v3 =	vor.u32 v6, v63  }
.LBB2_3:
0x53: {  	s28 =	sadd.s32 $0x10, s24;
	s23 =	sadd.s32 $0x2, s23;
	s22 =	sadd.s32 $0x20, s22  }
0x54: {  	v6 =	vadd.s32 s28, v0;
	p0 =	slt.u32 s23, $0x7A  }
0x55: {  	v7 =	vshrl.u32 v6, $0x13;
	v8 =	vshll.u32 v6, $0xD  }
0x56: {  	v5 =	vxor.u32 v5, v4;
	v7 =	vor.u32 v7, v8  }
0x57: {  	v8 =	vadd.s32 s24, v0;
	v7 =	vxor.u32 v6, v7  }
0x58: {  	v11 =	vshrl.u32 v5, $0x1A;
	v9 =	vshrl.u32 v8, $0x13;
	v10 =	vshll.u32 v8, $0xD  }
0x59: {  	v4 =	vadd.s32 v4, v5;
	v9 =	vor.u32 v9, v10;
	v10 =	vshll.u32 v7, $0xF  }
0x5a: {  	v13 =	vadd.s32 $0x1BD12BE3, v4;
	v12 =	vshrl.u32 v7, $0x11;
	v9 =	vxor.u32 v8, v9  }
0x5b: {  	v5 =	vshll.u32 v5, $0x6;
	v14 =	vshrl.u32 v9, $0x11;
	v15 =	vshll.u32 v9, $0xF  }
0x5c: {  	v5 =	vor.u32 v11, v5;
	v6 =	vadd.s32 v6, v7;
	v14 =	vor.u32 v14, v15  }
0x5d: {  	v7 =	vadd.s32 v8, v9;
	v8 =	vor.u32 v12, v10  }
0x5e: {  	v3 =	vxor.u32 v3, v2;
	v8 =	vxor.u32 v8, v6;
	v9 =	vxor.u32 v14, v7  }
0x5f: {  	v6 =	vadd.s32 v6, v8;
	v11 =	vshrl.u32 v8, $0x6;
	v10 =	vshrl.u32 v9, $0x6  }
0x60: {  	v8 =	vshll.u32 v8, $0x1A;
	v14 =	vshrl.u32 v3, $0x10;
	v12 =	vshll.u32 v9, $0x1A  }
0x61: {  	v2 =	vadd.s32 v2, v3;
	v7 =	vadd.s32 v7, v9;
	v8 =	vor.u32 v11, v8  }
0x62: {  	v4 =	vxor.u32 v5, v4;
	v8 =	vxor.u32 v8, v6  }
0x63: {  	v4 =	vadd.s32 $0x5, v4;
	v5 =	vor.u32 v10, v12;
	v9 =	vshrl.u32 v8, $0x1A  }
0x64: {  	v3 =	vshll.u32 v3, $0x10;
	v5 =	vxor.u32 v5, v7;
	v10 =	vshll.u32 v8, $0x6  }
0x65: {  	v3 =	vor.u32 v14, v3;
	v11 =	vshrl.u32 v5, $0x1A;
	v9 =	vor.u32 v9, v10  }
0x66: {  	v3 =	vxor.u32 v3, v2;
	v7 =	vadd.s32 v7, v5;
	v5 =	vshll.u32 v5, $0x6  }
0x67: {  	v6 =	vadd.s32 v6, v8;
	v8 =	vshrl.u32 v3, $0x8;
	v5 =	vor.u32 v11, v5  }
0x68: {  	v9 =	vxor.u32 v9, v6;
	v11 =	vshll.u32 v3, $0x18;
	v5 =	vxor.u32 v5, v7;
	v10 =	vld [tilespmem:s20+$0xFFFFFFF0]  }
0x69: {  	v3 =	vadd.s32 v2, v3;
	v9 =	vadd.s32 $0x1BD12BE4, v9;
	v5 =	vadd.s32 $0x1BD12BE4, v5;
	v12 =	vld [tilespmem:s19+$0xFFFFFFF0]  }
0x6a: {  	v8 =	vor.u32 v8, v11;
	v2 =	vadd.s32 v5, v7;
	v7 =	vshrl.u32 v5, $0xF  }
0x6b: {  	v4 =	vxor.u32 v13, v4;
	v5 =	vshll.u32 v5, $0x11;
	v2 =	vadd.s32 $0x3039, v2  }
0x6c: {  	v6 =	vadd.s32 v9, v6;
	v5 =	vor.u32 v7, v5;
	v7 =	vshll.u32 v9, $0x11  }
0x6d: {  	vm0 =	vlt.u32 v4, v1;
	v6 =	vadd.s32 $0x3039, v6;
	v5 =	vxor.u32 v5, v2  }
0x6e: {  	v4 =	vshrl.u32 v5, $0x3;
	v11 =	vshll.u32 v5, $0x1D;
	v10 =	vsel vm0, v12, v10  }
0x6f: {  	v5 =	vadd.s32 v2, v5;
	v2 =	vor.u32 v4, v11;
	v4 =	vxor.u32 v8, v3;
	[tilespmem:s18+$0xFFFFFFF0] =	vst v10  }
0x70: {  	v9 =	vshrl.u32 v9, $0xF;
	v8 =	vxor.u32 v2, v5;
	v4 =	vadd.s32 $0x1BD12BE7, v4;
	v2 =	vld [tilespmem:s20+$0x0];
	s20 =	smov.u32 s22  }
0x71: {  	v7 =	vor.u32 v9, v7;
	v9 =	vadd.s32 v4, v3;
	v10 =	vshrl.u32 v8, $0x10;
	v3 =	vld [tilespmem:s19+$0x0];
	s19 =	smov.u32 s26  }
0x72: {  	v7 =	vxor.u32 v7, v6;
	v11 =	vshll.u32 v8, $0x10;
	v12 =	vshrl.u32 v4, $0x13  }
0x73: {  	v5 =	vadd.s32 v5, v8;
	v4 =	vshll.u32 v4, $0xD;
	v8 =	vor.u32 v10, v11  }
0x74: {  	v6 =	vadd.s32 v6, v7;
	v9 =	vadd.s32 $0x3039, v9;
	v8 =	vxor.u32 v8, v5  }
0x75: {  	v4 =	vor.u32 v12, v4;
	v11 =	vshll.u32 v7, $0x1D;
	v10 =	vshrl.u32 v8, $0x8  }
0x76: {  	v7 =	vshrl.u32 v7, $0x3;
	v5 =	vadd.s32 v5, v8;
	v8 =	vshll.u32 v8, $0x18  }
0x77: {  	v4 =	vxor.u32 v4, v9;
	v7 =	vor.u32 v7, v11;
	v8 =	vor.u32 v10, v8  }
0x78: {  	v7 =	vxor.u32 v7, v6;
	v10 =	vshrl.u32 v4, $0x11;
	v8 =	vxor.u32 v8, v5  }
0x79: {  	v12 =	vshll.u32 v4, $0xF;
	v11 =	vshll.u32 v7, $0x10;
	v8 =	vadd.s32 $0x2, v8  }
0x7a: {  	v10 =	vor.u32 v10, v12;
	v5 =	vadd.s32 v8, v5;
	v13 =	vshrl.u32 v8, $0x13  }
0x7b: {  	v8 =	vshll.u32 v8, $0xD;
	v5 =	vadd.s32 $0x1BD12BE3, v5  }
0x7c: {  	v12 =	vshrl.u32 v7, $0x10;
	v8 =	vor.u32 v13, v8  }
0x7d: {  	v6 =	vadd.s32 v6, v7;
	v7 =	vor.u32 v12, v11;
	v8 =	vxor.u32 v8, v5  }
0x7e: {  	v7 =	vxor.u32 v7, v6;
	v11 =	vshrl.u32 v8, $0x11;
	v12 =	vshll.u32 v8, $0xF  }
0x7f: {  	v5 =	vadd.s32 v5, v8;
	v8 =	vor.u32 v11, v12;
	v11 =	vshll.u32 v7, $0x18  }
0x80: {  	v6 =	vadd.s32 v6, v7;
	v7 =	vshrl.u32 v7, $0x8;
	v8 =	vxor.u32 v8, v5  }
0x81: {  	v4 =	vadd.s32 v9, v4;
	v7 =	vor.u32 v7, v11;
	v12 =	vshll.u32 v8, $0x1A  }
0x82: {  	v10 =	vxor.u32 v10, v4;
	v9 =	vshrl.u32 v8, $0x6;
	v7 =	vxor.u32 v7, v6  }
0x83: {  	v5 =	vadd.s32 v5, v8;
	v8 =	vor.u32 v9, v12;
	v9 =	vshrl.u32 v10, $0x6  }
0x84: {  	v4 =	vadd.s32 v4, v10;
	v10 =	vshll.u32 v10, $0x1A;
	v8 =	vxor.u32 v8, v5  }
0x85: {  	v7 =	vadd.s32 $0x2, v7;
	v11 =	vshrl.u32 v8, $0x1A;
	v12 =	vshll.u32 v8, $0x6  }
0x86: {  	v6 =	vadd.s32 v7, v6;
	v5 =	vadd.s32 v5, v8;
	v8 =	vor.u32 v11, v12  }
0x87: {  	v9 =	vor.u32 v9, v10;
	v11 =	vshrl.u32 v7, $0x13;
	v8 =	vxor.u32 v8, v5  }
0x88: {  	v9 =	vxor.u32 v9, v4;
	v8 =	vadd.s32 $0x303C, v8  }
0x89: {  	v13 =	vshrl.u32 v9, $0x1A;
	v10 =	vshrl.u32 v8, $0xF;
	v12 =	vshll.u32 v8, $0x11  }
0x8a: {  	v4 =	vadd.s32 v4, v9;
	v5 =	vadd.s32 v5, v8;
	v8 =	vshll.u32 v9, $0x6  }
0x8b: {  	v7 =	vshll.u32 v7, $0xD;
	v9 =	vor.u32 v10, v12;
	v8 =	vor.u32 v13, v8  }
0x8c: {  	v7 =	vor.u32 v11, v7;
	v9 =	vxor.u32 v9, v5;
	v8 =	vxor.u32 v8, v4  }
0x8d: {  	v6 =	vadd.s32 $0x1BD12BE3, v6;
	v10 =	vshrl.u32 v9, $0x3;
	v11 =	vshll.u32 v9, $0x1D  }
0x8e: {  	v7 =	vxor.u32 v7, v6;
	v4 =	vadd.s32 $0x1BD12BE3, v4;
	v10 =	vor.u32 v10, v11  }
0x8f: {  	v5 =	vadd.s32 v5, v9;
	v9 =	vshrl.u32 v7, $0x11;
	v8 =	vadd.s32 $0x5, v8  }
0x90: {  	v6 =	vadd.s32 v6, v7;
	v4 =	vxor.u32 v4, v8;
	v10 =	vxor.u32 v10, v5  }
0x91: {  	vm0 =	vlt.u32 v4, v1;
	v8 =	vshrl.u32 v10, $0x10;
	v11 =	vshll.u32 v10, $0x10  }
0x92: {  	v7 =	vshll.u32 v7, $0xF;
	v4 =	vadd.s32 v5, v10;
	v5 =	vor.u32 v8, v11  }
0x93: {  	v7 =	vor.u32 v9, v7;
	v2 =	vsel vm0, v3, v2;
	v5 =	vxor.u32 v5, v4  }
0x94: {  	v7 =	vxor.u32 v7, v6;
	v3 =	vshrl.u32 v5, $0x8;
	v8 =	vshll.u32 v5, $0x18;
	[tilespmem:s18+$0x0] =	vst v2;
	s18 =	smov.u32 s25  }
0x95: {  	v3 =	vor.u32 v3, v8;
	v2 =	vadd.s32 v4, v5;
	v4 =	vshrl.u32 v7, $0x6  }
0x96: {  	v5 =	vadd.s32 v6, v7;
	v6 =	vshll.u32 v7, $0x1A;
	v3 =	vxor.u32 v3, v2  }
0x97: {  	v4 =	vor.u32 v4, v6;
	v3 =	vadd.s32 $0x1BD12BE7, v3  }
0x98: {  	v4 =	vxor.u32 v4, v5;
	v2 =	vadd.s32 v3, v2;
	v6 =	vshrl.u32 v3, $0x13  }
0x99: {  	v3 =	vshll.u32 v3, $0xD;
	v7 =	vshrl.u32 v4, $0x1A;
	v2 =	vadd.s32 $0x3039, v2  }
0x9a: {  	v3 =	vor.u32 v6, v3;
	v6 =	vshll.u32 v4, $0x6  }
0x9b: {  	v4 =	vadd.s32 v5, v4;
	v3 =	vxor.u32 v3, v2;
	v5 =	vor.u32 v7, v6  }
0x9c: {  	v6 =	vshrl.u32 v3, $0x11;
	v7 =	vshll.u32 v3, $0xF;
	v5 =	vxor.u32 v5, v4  }
0x9d: {  	v2 =	vadd.s32 v2, v3;
	v3 =	vor.u32 v6, v7;
	v5 =	vadd.s32 $0x303C, v5  }
.Ltmp0:
0x9e: {  	v6 =	vshrl.u32 v5, $0xF;
	v7 =	vshll.u32 v5, $0x11;
	(pc) =	sbr.rel @p0 .LBB2_3-.Ltmp0, $4  }
0x9f: {  	v3 =	vxor.u32 v3, v2;
	v8 =	vadd.s32 v4, v5;
	v4 =	vor.u32 v6, v7  }
0xa0: {  	v5 =	vshrl.u32 v3, $0x6;
	v6 =	vshll.u32 v3, $0x1A;
	v7 =	vxor.u32 v4, v8  }
0xa1: {  	v5 =	vor.u32 v5, v6;
	v6 =	vshrl.u32 v7, $0x3;
	v9 =	vshll.u32 v7, $0x1D  }
0xa2: {  	s24 =	sadd.s32 $0x20, s24;
	s26 =	sadd.s32 $0x20, s26;
	s25 =	sadd.s32 $0x20, s25;
	v4 =	vadd.s32 v2, v3;
	v2 =	vadd.s32 v8, v7;
	v3 =	vor.u32 v6, v9  }
0xa3: {  	s21 =	sadd.s32 $0xAAEDC0, s21  }
0xa4: {  	v6 =	vadd.s32 s21, v0  }
0xa5: {  	v7 =	vshrl.u32 v6, $0x13;
	v8 =	vshll.u32 v6, $0xD  }
0xa6: {  	v7 =	vor.u32 v7, v8  }
0xa7: {  	v7 =	vxor.u32 v6, v7  }
0xa8: {  	v58 =	vshrl.u32 v7, $0x11;
	v9 =	vshll.u32 v7, $0xF  }
0xa9: {  	v6 =	vadd.s32 v6, v7;
	v59 =	vor.u32 v58, v9  }
0xaa: {  	v7 =	vxor.u32 v59, v6  }
0xab: {  	v60 =	vshrl.u32 v7, $0x6;
	v61 =	vshll.u32 v7, $0x1A  }
0xac: {  	v6 =	vadd.s32 v6, v7;
	v62 =	vor.u32 v60, v61  }
0xad: {  	v7 =	vxor.u32 v62, v6  }
0xae: {  	v63 =	vshrl.u32 v7, $0x1A;
	v12 =	vshll.u32 v7, $0x6  }
0xaf: {  	v6 =	vadd.s32 v6, v7;
	v13 =	vor.u32 v63, v12  }
0xb0: {  	v7 =	vxor.u32 v13, v6  }
0xb1: {  	v7 =	vadd.s32 $0x1BD12BE4, v7  }
0xb2: {  	v6 =	vadd.s32 v7, v6;
	v14 =	vshrl.u32 v7, $0xF;
	v7 =	vshll.u32 v7, $0x11  }
0xb3: {  	v6 =	vadd.s32 $0x3039, v6;
	v7 =	vor.u32 v14, v7  }
0xb4: {  	v7 =	vxor.u32 v7, v6  }
0xb5: {  	v15 =	vshrl.u32 v7, $0x3;
	v16 =	vshll.u32 v7, $0x1D  }
0xb6: {  	v6 =	vadd.s32 v6, v7;
	v17 =	vor.u32 v15, v16  }
0xb7: {  	v7 =	vxor.u32 v17, v6  }
0xb8: {  	v18 =	vshrl.u32 v7, $0x10;
	v19 =	vshll.u32 v7, $0x10  }
0xb9: {  	v6 =	vadd.s32 v6, v7;
	v20 =	vor.u32 v18, v19  }
0xba: {  	v5 =	vxor.u32 v5, v4;
	v7 =	vxor.u32 v20, v6  }
0xbb: {  	v3 =	vxor.u32 v3, v2;
	v22 =	vshrl.u32 v7, $0x8;
	v10 =	vshll.u32 v7, $0x18  }
0xbc: {  	v21 =	vshrl.u32 v5, $0x1A;
	v6 =	vadd.s32 v6, v7;
	v23 =	vor.u32 v22, v10  }
0xbd: {  	v4 =	vadd.s32 v4, v5;
	v5 =	vshll.u32 v5, $0x6;
	v7 =	vxor.u32 v23, v6  }
0xbe: {  	v26 =	vshrl.u32 v3, $0x10;
	v2 =	vadd.s32 v2, v3;
	v7 =	vadd.s32 $0x2, v7  }
0xbf: {  	v6 =	vadd.s32 v7, v6;
	v25 =	vshrl.u32 v7, $0x13;
	v7 =	vshll.u32 v7, $0xD  }
0xc0: {  	v3 =	vshll.u32 v3, $0x10;
	v6 =	vadd.s32 $0x1BD12BE3, v6;
	v7 =	vor.u32 v25, v7  }
0xc1: {  	v24 =	vadd.s32 $0x1BD12BE3, v4;
	v5 =	vor.u32 v21, v5;
	v27 =	vxor.u32 v7, v6  }
0xc2: {  	v3 =	vor.u32 v26, v3;
	v7 =	vshrl.u32 v27, $0x11;
	v28 =	vshll.u32 v27, $0xF  }
0xc3: {  	v4 =	vxor.u32 v5, v4;
	v5 =	vadd.s32 v6, v27;
	v29 =	vor.u32 v7, v28  }
0xc4: {  	v3 =	vxor.u32 v3, v2;
	v4 =	vadd.s32 $0x5, v4;
	v6 =	vxor.u32 v29, v5  }
0xc5: {  	v30 =	vshrl.u32 v3, $0x8;
	v31 =	vshrl.u32 v6, $0x6;
	v32 =	vshll.u32 v6, $0x1A  }
0xc6: {  	v33 =	vshll.u32 v3, $0x18;
	v5 =	vadd.s32 v5, v6;
	v8 =	vor.u32 v31, v32  }
0xc7: {  	v2 =	vadd.s32 v2, v3;
	v3 =	vor.u32 v30, v33;
	v34 =	vxor.u32 v8, v5  }
0xc8: {  	v3 =	vxor.u32 v3, v2;
	v35 =	vshrl.u32 v34, $0x1A;
	v8 =	vshll.u32 v34, $0x6  }
0xc9: {  	v3 =	vadd.s32 $0x1BD12BE7, v3;
	v5 =	vadd.s32 v5, v34;
	v36 =	vor.u32 v35, v8  }
0xca: {  	v2 =	vadd.s32 v3, v2;
	v37 =	vshrl.u32 v3, $0x13;
	v6 =	vxor.u32 v36, v5  }
0xcb: {  	v3 =	vshll.u32 v3, $0xD;
	v2 =	vadd.s32 $0x3039, v2;
	v6 =	vadd.s32 $0x303C, v6  }
0xcc: {  	v3 =	vor.u32 v37, v3;
	v38 =	vshrl.u32 v6, $0xF;
	v39 =	vshll.u32 v6, $0x11  }
0xcd: {  	v3 =	vxor.u32 v3, v2;
	v5 =	vadd.s32 v5, v6;
	v40 =	vor.u32 v38, v39  }
0xce: {  	v41 =	vshrl.u32 v3, $0x11;
	v42 =	vshll.u32 v3, $0xF;
	v6 =	vxor.u32 v40, v5  }
0xcf: {  	v2 =	vadd.s32 v2, v3;
	v43 =	vshrl.u32 v6, $0x3;
	v44 =	vshll.u32 v6, $0x1D  }
0xd0: {  	v7 =	vor.u32 v41, v42;
	v3 =	vadd.s32 v5, v6;
	v45 =	vor.u32 v43, v44  }
0xd1: {  	v4 =	vxor.u32 v24, v4;
	v7 =	vxor.u32 v7, v2;
	v5 =	vxor.u32 v45, v3  }
0xd2: {  	v46 =	vld [tilespmem:s20+$0xFFFFFFF0];
	v3 =	vadd.s32 v3, v5;
	v48 =	vshrl.u32 v5, $0x10;
	v5 =	vshll.u32 v5, $0x10  }
0xd3: {  	v47 =	vld [tilespmem:s19+$0xFFFFFFF0];
	v49 =	vshrl.u32 v7, $0x6;
	v50 =	vshll.u32 v7, $0x1A;
	v5 =	vor.u32 v48, v5  }
0xd4: {  	v2 =	vadd.s32 v2, v7;
	v51 =	vor.u32 v49, v50;
	v5 =	vxor.u32 v5, v3  }
0xd5: {  	v3 =	vadd.s32 v3, v5;
	v52 =	vshrl.u32 v5, $0x8;
	v5 =	vshll.u32 v5, $0x18  }
0xd6: {  	vm0 =	vlt.u32 v4, v1;
	v53 =	vxor.u32 v51, v2;
	v5 =	vor.u32 v52, v5  }
0xd7: {  	v7 =	vshrl.u32 v53, $0x1A;
	v2 =	vadd.s32 v2, v53;
	v5 =	vxor.u32 v5, v3  }
0xd8: {  	v4 =	vshll.u32 v53, $0x6;
	v6 =	vsel vm0, v47, v46;
	v5 =	vadd.s32 $0x1BD12BE7, v5  }
0xd9: {  	[tilespmem:s18+$0xFFFFFFF0] =	vst v6;
	v3 =	vadd.s32 v5, v3;
	v54 =	vshrl.u32 v5, $0x13;
	v5 =	vshll.u32 v5, $0xD  }
0xda: {  	v4 =	vor.u32 v7, v4;
	v55 =	vld [tilespmem:s20+$0x0];
	v3 =	vadd.s32 $0x3039, v3;
	v5 =	vor.u32 v54, v5  }
0xdb: {  	v4 =	vxor.u32 v4, v2;
	v56 =	vld [tilespmem:s19+$0x0];
	v5 =	vxor.u32 v5, v3  }
0xdc: {  	v2 =	vadd.s32 $0x1BD12BE3, v2;
	v57 =	vshrl.u32 v5, $0x11;
	v58 =	vshll.u32 v5, $0xF  }
0xdd: {  	v4 =	vadd.s32 $0x5, v4;
	v3 =	vadd.s32 v3, v5;
	v59 =	vor.u32 v57, v58  }
0xde: {  	v2 =	vxor.u32 v2, v4;
	v60 =	vxor.u32 v59, v3  }
0xdf: {  	vm14 =	vlt.u32 v2, v1;
	v2 =	vshrl.u32 v60, $0x6;
	v5 =	vshll.u32 v60, $0x1A  }
0xe0: {  	v6 =	vsel vm14, v56, v55;
	v3 =	vadd.s32 v3, v60;
	v2 =	vor.u32 v2, v5  }
0xe1: {  	[tilespmem:s18+$0x0] =	vst v6;
	v2 =	vxor.u32 v2, v3  }
0xe2: {  	v6 =	vld [tilespmem:$0xFC0];
	v61 =	vshrl.u32 v2, $0x1A;
	v62 =	vshll.u32 v2, $0x6  }
0xe3: {  	v63 =	vld [tilespmem:$0x7C0];
	v2 =	vadd.s32 v3, v2;
	v3 =	vor.u32 v61, v62  }
0xe4: {  	v3 =	vxor.u32 v3, v2  }
0xe5: {  	v2 =	vadd.s32 $0x1BD12BE3, v2;
	v3 =	vadd.s32 $0x5, v3  }
0xe6: {  	v2 =	vxor.u32 v2, v3  }
0xe7: {  	s16 =	sadd.s32 $0x1, s16;
	vm15 =	vlt.u32 v2, v1  }
0xe8: {  	p0 =	sne.s32 s16, $0x19;
	v2 =	vsel vm15, v6, v63  }
.Ltmp1:
0xe9: {  	s17 =	sadd.s32 s6, s17;
	[tilespmem:$0x17C0] =	vst v2;
	(pc) =	sbr.rel @p0 .LBB2_2-.Ltmp1, $4  }
0xea: {  	[hbm4b:s17+s2] =	stream.linear.scatter [tilespmem:s13], [sflag:$0x1], $0x7D0, $0x38;
	[tilespmem:$0x1880] =	vst v63  }
0xeb: {  	_ =	swait.ge [sflag:s11], $0x7D0  }
0xec: {  	[sflag:s11] =	ssyncset.done $0x0  }
0xed: {  	s15 =	sadd.s32 $0x7D0, s15;
	[sflag:s11] =	ssyncadd.s32 $0xFFFFF830  }
0xee: {  	s14 =	sadd.s32 $0x1, s14  }
0xef: {  	p0 =	sne.s32 s14, s8  }
.Ltmp2:
0xf0: {  	_ = 	snop;
	(pc) =	sbr.rel @p0 .LBB2_1-.Ltmp2, $1  }
0xf1: {  	_ =	sdelay $0x3  }
0xf2: {  	_ =	sfence.sel $0x180000  }
0xf3: {  	[bflag:$0x0] =	sbarrier.arrive $0xFFFF  }
0xf4: {  	p0 =	sne.s32 s3, $0x0;
	_ =	strace $0x90000047  }
0xf5: {  	s0 =	sadd.s32 @!p0 $0x100000, s0;
	[bflag:$0x2] =	sbarrier.arrive $0xFFFF  }
0xf6: {  	[sflag:s0] =	ssyncadd.tile.s32 @!p0 $0x1;
	_ =	shalt  }
.Lfunc_end2:
_tile_overlayer_lowered:
.L_overlay_start_2:
0xf7: {  	(tag) =	ssettag $0x2  }
0xf8: {  	s0 =	rddreg [dreg:$0x0];
	s2 =	stileid.u32  }
0xf9: {  	s1 =	rddreg [dreg:$0x1];
	p0 =	sne.s32 s2, $0x0  }
0xfa: {  	s3 =	rddreg [dreg:$0x2];
	[bflag:$0x3] =	sbarrier.arrive $0xFFFF;
	s2 =	simm.s32 @!p0 $0x1C01  }
0xfb: {  	[timem:s3], [sflag:s2] =	dma.local @!p0 [hbm:s0], s1  }
0xfc: {  	s0 =	simm.s32 @!p0 $0x1  }
0xfd: {  	_ =	swait.ge @!p0 [sflag:s0], s1  }
0xfe: {  	s1 =	ssub.s32 @!p0 $0x0, s1;
	[sflag:s0] =	ssyncset.done @!p0 $0x0  }
0xff: {  	[sflag:s0] =	ssyncadd.s32 @!p0 s1  }
0x100: {  	[bflag:$0x3] =	sbarrier.arrive $0xFFFF  }
0x101: {  	_ =	shalt  }

// kernel: sparse-core-data-format-call.cloned.1.call-start
scs
called_computation_lowered:
.L_overlay_start_0:
0x0: {  	s2 =	sld [smem:$0x3FD9]  }
0x1: {  	s3 =	sld [smem:$0x3FFE];
	_ =	sdelay $0x1  }
0x2: {  	s1 =	srdreg.scid  }
0x3: {  	s0 =	sand.u32 $0x1, s1  }
0x4: {  	s18 =	sshll.u32 s0, $0xA;
	s2 =	sadd.s32 s3, s2  }
0x5: {  	s2 =	sadd.s32 s2, s18  }
0x6: {  	[smem:$0x3FC5] =	sst s2  }
0x7: {  	_ = 	snop  }
0x8: {  	s2 =	sld [smem:$0x3FD0];
	(tm) =	ssettm $0x1  }
0x9: {  	s19 =	sld [smem:$0x3FFB];
	_ =	sdelay $0x3  }
0xa: {  	_ =	strace s19  }
0xb: {  	s3 =	sld [smem:$0x3FFC];
	_ =	sdelay $0x3  }
0xc: {  	_ =	strace s3  }
0xd: {  	s3 =	sld [smem:$0x3FFD];
	_ =	sdelay $0x3  }
0xe: {  	_ =	strace s3  }
0xf: {  	_ =	strace $0x8FFFFFFF  }
0x10: {  	s20 =	sld [smem:$0x3FDB];
	_ =	sdelay $0x1  }
0x11: {  	s4 =	simm.s32 $_scs_section_size  }
0x12: {  	s5 =	simm.s32 $_size__tile_overlayer_lowered;
	s6 =	simm.s32 $_tile_overlayer_lowered  }
0x13: {  	s23 =	simm.s32 $0x1BFF;
	s22 =	sshll.u32 s6, $0x1;
	s3 =	sadd.s32 s4, s20  }
0x14: {  	s7 =	simm.s32 $0x0;
	s21 =	sshll.u32 s5, $0x1;
	s5 =	sadd.s32 s22, s3  }
0x15: {  	[timem:s7], [sflag:s23] =	dma.local [hbm:s5], s21  }
0x16: {  	_ =	swait.ge [sflag:s23], s21  }
0x17: {  	s4 =	ssub.s32 $0x0, s21;
	[sflag:s23] =	ssyncset.done $0x0  }
0x18: {  	[sflag:s23] =	ssyncadd.s32 s4;
	_ =	sdelay $0x1  }
0x19: {  	s24 =	simm.s32 $0x1B8B  }
0x1a: {  	_ =	swait.ge [sflag:s24], $0x1  }
0x1b: {  	[sflag:s24] =	ssyncset.done $0x0  }
0x1c: {  	s26 =	simm.s32 $0x1B8E;
	s25 =	sld [smem:$0x3FFE];
	[sflag:s24] =	ssyncadd.s32 $0xFFFFFFFF  }
0x1d: {  	s27 =	simm.s32 $execute0_lowered;
	[smem:$0x3FD2] =	sst s26  }
0x1e: {  	s5 =	sshll.u32 s27, $0x1;
	_ =	strace $0x80000049;
	[dreg:$0x1] =	wrdreg $0xFFFFFFFF  }
0x1f: {  	s28 =	simm.s32 $_size_execute0_lowered;
	s3 =	sadd.s32 s3, s5;
	[dreg:$0x0] =	wrdreg $0x0  }
0x20: {  	s5 =	sshll.u32 s28, $0x1;
	[dreg:$0x2] =	wrdreg s3  }
0x21: {  	[dreg:$0x3] =	wrdreg s5  }
0x22: {  	[dreg:$0x4] =	wrdreg $0xC0  }
0x23: {  	_ =	task [dreg:s7], $0x5FFFF  }
0x24: {  	[dreg:$0x1] =	wrdreg $0xFFFFFFFF  }
0x25: {  	[dreg:$0x0] =	wrdreg $0x60  }
0x26: {  	[dreg:$0x2] =	wrdreg s25  }
0x27: {  	[dreg:$0x3] =	wrdreg s2  }
0x28: {  	[dreg:$0x4] =	wrdreg $0x9  }
0x29: {  	_ =	task.clear_ibuf [dreg:s7], $0x5FFFF;
	_ =	strace $0x90000049  }
0x2a: {  	s29 =	simm.s32 $0x9;
	_ =	strace $0x8000004B  }
0x2b: {  	_ =	swait.ge [sflag:s29], $0x1  }
0x2c: {  	[sflag:s29] =	ssyncadd.s32 $0xFFFFFFFF  }
0x2d: {  	_ =	strace $0x9000004B  }
0x2e: {  	_ =	sfence  }
0x2f: {  	s30 =	sld [smem:$0x0];
	_ =	sdelay $0x2  }
0x30: {  	s31 =	sshll.u32 s1, $0xD;
	s1 =	sshrl.u32 s1, $0x2  }
0x31: {  	s3 =	sand.u32 $0x4000, s31;
	s1 =	sadd.s32 s1, s30  }
0x32: {  	s0 =	sor.u32 s3, s0;
	s1 =	sshll.u32 s1, $0x11  }
0x33: {  	s0 =	sor.u32 s1, s0  }
0x34: {  	s0 =	sadd.s32 $0x8F2B, s0  }
0x35: {  	[sflag:s0] =	ssyncadd.remote.s32 $0x1  }
0x36: {  	_ =	sfence.sel $0xFFFF  }
0x37: {  	[dreg:$0x0] =	wrdreg $0xFFFFFFFF;
	(pc) =	sbr.abs _section_cstart, $3  }
0x38: {  	[dreg:$0x1] =	wrdreg $0xFFFFFFFF  }
0x39: {  	_ =	task.clear_ibuf [dreg:s7], $0x2FFFF;
	_ =	strace $0x9FFFFFFF  }
0x3a: {  	(tm) =	ssettm $0x7FFFFFFF  }
0x3b: {  	_ =	shalt  }
tec
execute0_lowered:
.L_overlay_start_1:
0x0: {  	(tag) =	ssettag $0x1  }
0x1: {  	s4 =	rddreg [dreg:$0x0]  }
0x2: {  	s0 =	srdreg.scid;
	s2 =	rddreg [dreg:$0x1]  }
0x3: {  	s1 =	stileid.u32;
	s5 =	simm.s32 $0x1;
	s7 =	simm.s32 $0x2  }
0x4: {  	s14 =	simm.s32 $0x0;
	p0 =	por $0x0, $0x0;
	s0 =	sshll.u32 s0, $0x4  }
0x5: {  	s13 =	simm.s32 $0x0;
	s8 =	simm.s32 $0x0;
	s3 =	sand.u32 $0x10, s0  }
.Ltmp0:
0x6: {  	s9 =	simm.s32 $0x0;
	s3 =	sor.u32 s1, s3;
	(pc) =	sbr.rel .LBB1_1-.Ltmp0, $4  }
0x7: {  	s11 =	simm.s32 $0x0;
	s12 =	simm.s32 $0x0;
	s3 =	sshll.u32 s3, $0x7  }
0x8: {  	s0 =	rddreg [dreg:$0x2];
	_ =	strace $0x8000004A;
	s6 =	ssub.s32 $0x18680, s3  }
0x9: {  	s4 =	sadd.s32 $0x800, s4;
	[sflag:s5] =	ssyncpa.u1 $0x0;
	s6 =	sshrl.u32 s6, $0xC  }
0xa: {  	[sflag:s7] =	ssyncpa.u1 $0x0;
	s10 =	smov.u32 s3;
	s7 =	sadd.s32 $0x2, s6  }
.LBB1_5:
0xb: {  	p1 =	slt.u32 s12, $0x2  }
0xc: {  	p2 =	sgt.s32 @!p1 s14, $0x18620  }
0xd: {  	s15 =	smov.u32 s14;
	s16 =	sshra.s32 @!p1 s14, $0x1F;
	p2 =	por !p2, p1  }
0xe: {  	s14 =	sand.u32 @!p1 s16, s14;
	s15 =	simm.s32 @p2 $0x18620  }
0xf: {  	s14 =	ssub.s32 @!p1 s15, s14;
	s15 =	ssub.s32 @!p1 $0x0, s13  }
0x10: {  	s17 =	smov.u32 s11;
	s16 =	sadd.s32 @!p1 $0xFFFE79E0, s14;
	s13 =	smin.u32 @!p1 s13, s15  }
0x11: {  	s14 =	ssub.s32 @!p1 $0x186A0, s14;
	p2 =	sgt.s32 @!p1 s16, $0x7F;
	p3 =	sgt.s32 @!p1 s13, $0x7F  }
0x12: {  	s13 =	ssub.s32 @!p1 $0x80, s13;
	p2 =	por !p2, p1;
	p3 =	por !p3, p1  }
0x13: {  	s15 =	sadd.s32 $0x1000, s10;
	s14 =	simm.s32 @!p2 $0x0;
	s13 =	simm.s32 @!p3 $0x0  }
0x14: {  	p2 =	sgt.s32 s15, $0x1869F;
	s13 =	smul.u32 @!p1 s13, s14;
	s14 =	sadd.s32 $0x80, s11  }
0x15: {  	s17 =	smov.u32 @p2 s14  }
0x16: {  	s15 =	smov.u32 @p2 s3;
	p2 =	sgt.s32 s17, $0x7F  }
0x17: {  	s17 =	simm.s32 @p2 $0x0;
	p2 =	sne.s32 s12, s7  }
.Ltmp1:
0x18: {  	p0 =	por !p0, !p0;
	s16 =	simm.s32 @!p1 $0x2;
	(pc) =	sbr.rel @!p2 .LBB1_6-.Ltmp1, $4  }
0x19: {  	s14 =	smov.u32 s8;
	s8 =	smov.u32 s10;
	s13 =	sand.u32 @!p1 $0x3FFFFFFF, s13  }
0x1a: {  	s10 =	smov.u32 s15;
	_ =	swait.ge @!p1 [sflag:s16], s13;
	s18 =	ssub.s32 @!p1 $0x0, s13  }
0x1b: {  	s13 =	smov.u32 s9;
	s12 =	sadd.s32 $0x1, s12;
	[sflag:s16] =	ssyncset.done @!p1 $0x0  }
0x1c: {  	s9 =	smov.u32 s11;
	s11 =	smov.u32 s17;
	[sflag:s16] =	ssyncadd.s32 @!p1 s18  }
.LBB1_1:
0x1d: {  	p1 =	sgt.u32 s12, s6  }
0x1e: {  	s15 =	sshrl.u32 @!p1 s11, $0x3  }
0x1f: {  	s16 =	sshll.u32 @!p1 s10, $0x3;
	s15 =	smul.u32 @!p1 $0xC3800, s15  }
0x20: {  	s17 =	sshll.u32 @!p1 s11, $0x7;
	s16 =	sand.u32 @!p1 $0xFFFFFC00, s16  }
0x21: {  	s15 =	sadd.s32 @!p1 s15, s16;
	s16 =	sand.u32 @!p1 $0x380, s17  }
0x22: {  	s17 =	sand.u32 @!p1 $0x7F, s10;
	s15 =	sor.u32 @!p1 s16, s15  }
0x23: {  	s16 =	sor.u32 @!p1 s17, s15  }
0x24: {  	s17 =	smulhi.u32 @!p1 $0xA79C7B17, s16;
	_ =	sdelay $0x1  }
0x25: {  	s15 =	smulhi.u32 @!p1 $0xA79C7B17, s15;
	s17 =	sshrl.u32 @!p1 s17, $0x10  }
0x26: {  	s17 =	smul.u32 @!p1 $0x18700, s17  }
0x27: {  	s18 =	sxor.u32 @!p1 $0xFFFFFFFF, s12;
	s15 =	sshrl.u32 @!p1 s15, $0x10  }
0x28: {  	s18 =	sshll.u32 @!p1 s18, $0xE;
	s15 =	sand.u32 @!p1 $0x7F, s15;
	s16 =	ssub.s32 @!p1 s16, s17  }
0x29: {  	s15 =	smul.u32 @!p1 $0x30E0, s15;
	s17 =	sshrl.u32 @!p1 s16, $0x3;
	s16 =	sand.u32 @!p1 $0x7, s16  }
0x2a: {  	s18 =	sand.u32 @!p1 $0x4000, s18;
	s17 =	sadd.s32 @!p1 s4, s17;
	s16 =	sshll.u32 @!p1 s16, $0x12  }
0x2b: {  	s15 =	sadd.s32 @!p1 s15, s17;
	s16 =	sor.u32 @!p1 $0x400, s16;
	s17 =	simm.s32 @!p1 $0xC3800  }
0x2c: {  	[tilespmem:s18], [sflag:$0x1] =	stream.strided.gather @!p1 [hbm4b:s15+s16], $0x4000, s17, s16, $0x38;
	[tilespmem:$0x10100] =	vst v63  }
0x2d: {  	p1 =	seq.s32 s12, $0x0  }
0x2e: {  	p2 =	sge.u32 @!p1 s12, s7  }
0x2f: {  	p1 =	por p1, p2  }
.Ltmp2:
0x30: {  	_ = 	snop;
	(pc) =	sbr.rel @p1 .LBB1_5-.Ltmp2, $1  }
0x31: {  	_ =	sdelay $0x3  }
0x32: {  	s15 =	simm.s32 $0x1  }
0x33: {  	_ =	swait.ge [sflag:s5], $0x4000;
	s15 =	simm.s32 @!p0 $0x0  }
0x34: {  	[sflag:s5] =	ssyncset.done $0x0;
	s16 =	sshll.u32 s15, $0xE  }
0x35: {  	[sflag:s5] =	ssyncadd.s32 $0xFFFFC000;
	s16 =	sor.u32 $0x40, s16  }
0x36: {  	s15 =	smul.u32 $0x10200, s15;
	v0 =	vld [tilespmem:s16+$0x30]  }
0x37: {  	v1 =	vld [tilespmem:s16+$0xFFFFFFD0]  }
0x38: {  	s15 =	sshrl.u32 s15, $0x2;
	v5 =	vld [tilespmem:s16+$0xFFFFFFE0]  }
0x39: {  	v6 =	vld [tilespmem:s16+$0xFFFFFFF0];
	s18 =	sor.u32 $0x8000, s15  }
0x3a: {  	s31 =	sand.u32 $0x1, s12;
	v4 =	vld [tilespmem:s16+$0x0];
	s17 =	sadd.s32 $0x0, s18  }
0x3b: {  	v3 =	vld [tilespmem:s16+$0x10];
	s15 =	smul.u32 $0x10200, s31;
	[tilespmem:s17+$0x3870 ss:$0x81] =	vst.msk $0xffff, v0  }
0x3c: {  	v2 =	vld [tilespmem:s16+$0x20];
	[tilespmem:s17+$0x810 ss:$0x81] =	vst.msk $0xffff, v1  }
0x3d: {  	s15 =	sshrl.u32 s15, $0x2;
	v0 =	vld [tilespmem:s16+$0xFFFFFFC0];
	[tilespmem:s17+$0x1020 ss:$0x81] =	vst.msk $0xffff, v5;
	s16 =	sadd.s32 $0x80, s16  }
0x3e: {  	s19 =	simm.s32 $0x4;
	s20 =	simm.s32 $0x8;
	s15 =	sor.u32 $0x8000, s15;
	[tilespmem:s17+$0x1830 ss:$0x81] =	vst.msk $0xffff, v6;
	v1 =	vld [tilespmem:s16+$0x30]  }
.LBB1_3:
0x3f: {  	p1 =	sne.s32 s20, $0x1FC;
	v5 =	vld [tilespmem:s16+$0xFFFFFFD0];
	[tilespmem:s17+$0x2040 ss:$0x81] =	vst.msk $0xffff, v4  }
0x40: {  	v6 =	vld [tilespmem:s16+$0xFFFFFFE0];
	[tilespmem:s17+$0x2850 ss:$0x81] =	vst.msk $0xffff, v3  }
0x41: {  	s21 =	sshra.s32 s19, $0x2;
	s19 =	smov.u32 s20;
	v7 =	vld [tilespmem:s16+$0xFFFFFFF0];
	[tilespmem:s17+$0x3060 ss:$0x81] =	vst.msk $0xffff, v2  }
.Ltmp3:
0x42: {  	v4 =	vld [tilespmem:s16+$0x0];
	[tilespmem:s17+$0x0 ss:$0x81] =	vst.msk $0xffff, v0;
	s17 =	sadd.s32 s21, s18;
	(pc) =	sbr.rel @p1 .LBB1_3-.Ltmp3, $4  }
0x43: {  	v3 =	vld [tilespmem:s16+$0x10];
	[tilespmem:s17+$0x3870 ss:$0x81] =	vst.msk $0xffff, v1  }
0x44: {  	[tilespmem:s17+$0x810 ss:$0x81] =	vst.msk $0xffff, v5;
	v2 =	vld [tilespmem:s16+$0x20]  }
0x45: {  	v0 =	vld [tilespmem:s16+$0xFFFFFFC0];
	[tilespmem:s17+$0x1020 ss:$0x81] =	vst.msk $0xffff, v6;
	s16 =	sadd.s32 $0x80, s16  }
0x46: {  	s20 =	sadd.s32 $0x4, s20;
	v1 =	vld [tilespmem:s16+$0x30];
	[tilespmem:s17+$0x1830 ss:$0x81] =	vst.msk $0xffff, v7  }
0x47: {  	s20 =	sshll.u32 s8, $0x7;
	s21 =	sshll.u32 s9, $0x3;
	s19 =	sshra.s32 s19, $0x2  }
0x48: {  	v5 =	vld [tilespmem:s16+$0xFFFFFFD0];
	[tilespmem:s17+$0x2040 ss:$0x81] =	vst.msk $0xffff, v4;
	p1 =	sgt.s32 s8, $0x18620;
	s22 =	sand.u32 $0xFFFFFC00, s20;
	s21 =	sand.u32 $0xFFFFFC00, s21  }
0x49: {  	v58 =	vld [tilespmem:s16+$0xFFFFFFE0];
	s24 =	sshra.s32 s8, $0x1F;
	s20 =	sand.u32 $0x380, s20;
	[tilespmem:s17+$0x2850 ss:$0x81] =	vst.msk $0xffff, v3;
	s21 =	sadd.s32 s21, s22  }
0x4a: {  	v59 =	vld [tilespmem:s16+$0xFFFFFFF0];
	s26 =	ssub.s32 $0x0, s9;
	s18 =	sadd.s32 s19, s18;
	[tilespmem:s17+$0x3060 ss:$0x81] =	vst.msk $0xffff, v2;
	s23 =	sor.u32 s20, s21  }
0x4b: {  	v60 =	vld [tilespmem:s16+$0x0];
	s28 =	smin.u32 s9, s26;
	s20 =	smov.u32 s8;
	[tilespmem:s17+$0x0 ss:$0x81] =	vst.msk $0xffff, v0;
	s19 =	sshrl.u32 s23, $0x7  }
0x4c: {  	v61 =	vld [tilespmem:s16+$0x10];
	s21 =	sand.u32 s24, s8;
	s20 =	simm.s32 @!p1 $0x18620;
	[tilespmem:s18+$0x3870 ss:$0x81] =	vst.msk $0xffff, v1;
	s25 =	smulhi.u32 $0x14F8B59, s19  }
0x4d: {  	v62 =	vld [tilespmem:s16+$0x20];
	s29 =	sshrl.u32 s9, $0x3;
	p2 =	sgt.s32 s28, $0x7F;
	s20 =	ssub.s32 s20, s21;
	[tilespmem:s18+$0x810 ss:$0x81] =	vst.msk $0xffff, v5  }
0x4e: {  	v63 =	vld [tilespmem:s16+$0xFFFFFFC0];
	[tilespmem:s18+$0x1020 ss:$0x81] =	vst.msk $0xffff, v58;
	s21 =	sadd.s32 $0xFFFE79E0, s20;
	s20 =	ssub.s32 $0x186A0, s20;
	s17 =	sshrl.u32 s25, $0x9  }
0x4f: {  	[tilespmem:s18+$0x1830 ss:$0x81] =	vst.msk $0xffff, v59;
	p1 =	sgt.s32 s21, $0x7F;
	s27 =	smul.u32 $0x186A0, s17;
	s17 =	ssub.s32 $0x80, s28  }
.Ltmp4:
0x50: {  	[tilespmem:s18+$0x2040 ss:$0x81] =	vst.msk $0xffff, v60;
	s20 =	simm.s32 @p1 $0x0;
	s17 =	simm.s32 @p2 $0x0;
	(pc) =	sbr.rel .LBB1_5-.Ltmp4, $4  }
0x51: {  	s30 =	sand.u32 $0xF, s29;
	[tilespmem:s18+$0x2850 ss:$0x81] =	vst.msk $0xffff, v61;
	s16 =	ssub.s32 s19, s27;
	s17 =	smul.u32 s17, s20  }
0x52: {  	[tilespmem:s18+$0x3060 ss:$0x81] =	vst.msk $0xffff, v62;
	s19 =	sadd.s32 s2, s30;
	s16 =	sshll.u32 s16, $0x4  }
0x53: {  	s31 =	sand.u32 $0x7, s9;
	[tilespmem:s18+$0x0 ss:$0x81] =	vst.msk $0xffff, v63;
	s17 =	sand.u32 $0x3FFFFFFF, s17;
	s16 =	sadd.s32 s16, s19  }
0x54: {  	[hbm4b:s16+s31] =	stream.linear.scatter [tilespmem:s15], [sflag:$0x2], s17, $0x20;
	[tilespmem:$0x10100] =	vst v63  }
.LBB1_6:
0x55: {  	_ =	sfence.sel $0x180000  }
0x56: {  	s2 =	simm.s32 $0x1;
	[bflag:$0x0] =	sbarrier.arrive $0xFFFF  }
0x57: {  	s31 =	simm.s32 $0x2;
	[sflag:s2] =	ssyncpa.u1 $0x1  }
0x58: {  	[sflag:s31] =	ssyncpa.u1 $0x1  }
0x59: {  	p0 =	sne.s32 s1, $0x0;
	_ =	strace $0x9000004A  }
0x5a: {  	s0 =	sadd.s32 @!p0 $0x100000, s0;
	[bflag:$0x2] =	sbarrier.arrive $0xFFFF  }
0x5b: {  	[sflag:s0] =	ssyncadd.tile.s32 @!p0 $0x1;
	_ =	shalt  }
.Lfunc_end1:
_tile_overlayer_lowered:
.L_overlay_start_2:
0x5c: {  	(tag) =	ssettag $0x2  }
0x5d: {  	s0 =	rddreg [dreg:$0x0];
	s2 =	stileid.u32  }
0x5e: {  	s1 =	rddreg [dreg:$0x1];
	p0 =	sne.s32 s2, $0x0  }
0x5f: {  	s3 =	rddreg [dreg:$0x2];
	[bflag:$0x3] =	sbarrier.arrive $0xFFFF;
	s2 =	simm.s32 @!p0 $0x1C01  }
0x60: {  	[timem:s3], [sflag:s2] =	dma.local @!p0 [hbm:s0], s1  }
0x61: {  	s0 =	simm.s32 @!p0 $0x1  }
0x62: {  	_ =	swait.ge @!p0 [sflag:s0], s1  }
0x63: {  	s1 =	ssub.s32 @!p0 $0x0, s1;
	[sflag:s0] =	ssyncset.done @!p0 $0x0  }
0x64: {  	[sflag:s0] =	ssyncadd.s32 @!p0 s1  }
0x65: {  	[bflag:$0x3] =	sbarrier.arrive $0xFFFF  }
0x66: {  	_ =	shalt  }

</sc_bundles>
